<compile_context>
chip_gen: v7x
topology: tpu7x:2x2x1
jax: 0.10.2.dev20260603
libtpu: 0.0.44.dev20260713+nightly
codegen_flags: <defaults>
</compile_context>

<pallas_src>
import functools

import jax
import jax.numpy as jnp
from jax import lax
from jax.experimental import pallas as pl
from jax.experimental.pallas import tpu as pltpu
from jax.experimental.pallas import tpu_sc as plsc

HIDDEN = 4096
IN_SZ = 40
OUT_SZ = 22
FO1 = 2048
FO2 = 11
TAU = 20.0
SPIKE_THRESH = 0.3

E1 = IN_SZ * FO1
E2 = HIDDEN * FO2
NSUB = 16
E1_T = E1 // NSUB
R1_T = E1_T // 128
B1_T = R1_T // 8
CCH = FO1 // 128
H_T = HIDDEN // NSUB
E2_T = E2 // NSUB
R2_T = E2_T // 128


def _snn_body(sp_ref, mt_ref, t1_ref, w1_ref, t2_ref, w2_ref, dum_ref,
              times_ref, pot2_ref,
              sp_v, mt_v, t1_v, w1_v, vals1_v,
              inj1_v, s1_v, t2_v, w2_v, t2a_v, vals2_v,
              red_v, out_i_v, out_f_v,
              acc1_sh, acc2_sh, sem, dsem):
    s = lax.axis_index("s")
    decay = jnp.exp(jnp.float32(-1.0 / TAU))
    zero16f = jnp.zeros((16,), jnp.float32)

    stage = [
        pltpu.async_copy(sp_ref, sp_v, dsem),
        pltpu.async_copy(mt_ref, mt_v, dsem),
        pltpu.async_copy(
            t2_ref.at[pl.ds(0, FO2), pl.ds(s * H_T, H_T)], t2_v, dsem),
        pltpu.async_copy(
            w2_ref.at[pl.ds(0, FO2), pl.ds(s * H_T, H_T)], w2_v, dsem),
    ]
    for b in range(B1_T):
        k = s * B1_T + b
        r0 = pl.multiple_of(lax.div(k, CCH) * 8, 8)
        c0 = pl.multiple_of(lax.rem(k, CCH) * 128, 128)
        dst = pl.ds(b * 8, 8)
        stage.append(pltpu.async_copy(
            t1_ref.at[pl.ds(r0, 8), pl.ds(c0, 128)], t1_v.at[dst], dsem))
        stage.append(pltpu.async_copy(
            w1_ref.at[pl.ds(r0, 8), pl.ds(c0, 128)], w1_v.at[dst], dsem))
    def zloop(i, carry):
        inj1_v[pl.ds(i * 16, 16)] = zero16f
        return carry

    lax.fori_loop(0, H_T // 16, zloop, 0)
    pltpu.sync_copy(inj1_v, acc1_sh.at[pl.ds(s * H_T, H_T)])
    pltpu.sync_copy(inj1_v.at[pl.ds(0, 32)], acc2_sh.at[pl.ds(s * 32, 32)])
    for d in stage:
        d.wait()

    plsc.subcore_barrier()

    def l1_row(h, carry):
        for u in range(2):
            r = h * 2 + u
            i_in = (lax.div(s * B1_T + lax.div(r, 8), CCH) * 8
                    + lax.rem(r, 8))
            rowv = jnp.full((16,), i_in, jnp.int32)
            sval = plsc.load_gather(sp_v, [rowv])
            sval = sval + sval
            for c in range(8):
                vals1_v[r, pl.ds(c * 16, 16)] = (
                    sval * w1_v[r, pl.ds(c * 16, 16)])
            pltpu.async_copy(vals1_v.at[r], acc1_sh.at[t1_v.at[r]], sem,
                             add=True)
        return carry

    lax.fori_loop(0, R1_T // 2, l1_row, 0)

    base2 = s * 32

    def l2_idx(j, carry):
        for c in range(H_T // 16):
            t2a_v[j * 2 + c // 8, pl.ds((c % 8) * 16, 16)] = (
                t2_v[j, pl.ds(c * 16, 16)] + base2)
        return carry

    lax.fori_loop(0, FO2, l2_idx, 0)

    pltpu.make_async_copy(
        w1_ref.at[pl.ds(0, R1_T), pl.ds(0, 128)], vals1_v, sem).wait()

    plsc.subcore_barrier()

    pltpu.sync_copy(acc1_sh.at[pl.ds(s * H_T, H_T)], inj1_v)
    mt = mt_v[pl.ds(0, 16)]
    gate1 = jnp.where(mt >= 1, jnp.full((16,), 1.0, jnp.float32), zero16f)

    def thloop(i, carry):
        v = inj1_v[pl.ds(i * 16, 16)]
        s1_v[pl.ds(i * 16, 16)] = jnp.where(v * decay >= SPIKE_THRESH,
                                            gate1, zero16f)
        return carry

    lax.fori_loop(0, H_T // 16, thloop, 0)

    def l2_row(j, carry):
        for c in range(H_T // 16):
            sl = pl.ds(c * 16, 16)
            vals2_v[pl.ds(j * 256 + c * 16, 16)] = s1_v[sl] * w2_v[j, sl]
            if c % 8 == 7:
                orow = j * 2 + c // 8
                pltpu.async_copy(vals2_v.at[pl.ds(orow * 128, 128)],
                                 acc2_sh.at[t2a_v.at[orow]], sem,
                                 add=True)
        return carry

    lax.fori_loop(0, FO2, l2_row, 0)
    pltpu.make_async_copy(dum_ref, vals2_v, sem).wait()

    plsc.subcore_barrier()

    @pl.when(s == 0)
    def _():
        pltpu.sync_copy(acc2_sh, red_v)

        def redloop(i, carry):
            lo, hi = carry
            return (lo + red_v[pl.ds(i * 32, 16)],
                    hi + red_v[pl.ds(i * 32 + 16, 16)])

        acc_lo, acc_hi = lax.fori_loop(0, NSUB, redloop,
                                       (zero16f, zero16f))
        mtf = mt.astype(jnp.float32)
        live2 = mt >= 2
        scale = jnp.where(live2,
                          jnp.exp(-(mtf - 1.0) * jnp.float32(1.0 / TAU)),
                          zero16f)
        one16 = jnp.full((16,), 1, jnp.int32)
        neg16 = jnp.full((16,), -1, jnp.int32)
        for half, acc in ((0, acc_lo), (1, acc_hi)):
            fired = (acc * decay >= SPIKE_THRESH) & live2
            out_i_v[pl.ds(half * 16, 16)] = jnp.where(fired, one16, neg16)
            out_f_v[pl.ds(half * 16, 16)] = acc * scale
        pltpu.sync_copy(out_i_v, times_ref)
        pltpu.sync_copy(out_f_v, pot2_ref)


@functools.partial(
    pl.kernel,
    out_type=[jax.ShapeDtypeStruct((32,), jnp.int32),
              jax.ShapeDtypeStruct((32,), jnp.float32)],
    mesh=plsc.VectorSubcoreMesh(core_axis_name="c", subcore_axis_name="s",
                                num_cores=1, num_subcores=NSUB),
    compiler_params=pltpu.CompilerParams(needs_layout_passes=False),
    scratch_types=[
        pltpu.VMEM((IN_SZ,), jnp.float32),
        pltpu.VMEM((16,), jnp.int32),
        pltpu.VMEM((R1_T, 128), jnp.int32),
        pltpu.VMEM((R1_T, 128), jnp.float32),
        pltpu.VMEM((R1_T, 128), jnp.float32),
        pltpu.VMEM((H_T,), jnp.float32),
        pltpu.VMEM((H_T,), jnp.float32),
        pltpu.VMEM((FO2, H_T), jnp.int32),
        pltpu.VMEM((FO2, H_T), jnp.float32),
        pltpu.VMEM((R2_T, 128), jnp.int32),
        pltpu.VMEM((E2_T,), jnp.float32),
        pltpu.VMEM((NSUB * 32,), jnp.float32),
        pltpu.VMEM((32,), jnp.int32),
        pltpu.VMEM((32,), jnp.float32),
        pltpu.VMEM_SHARED((HIDDEN,), jnp.float32),
        pltpu.VMEM_SHARED((NSUB * 32,), jnp.float32),
        pltpu.SemaphoreType.DMA,
        pltpu.SemaphoreType.DMA,
    ],
)
def _snn_sc(*refs):
    _snn_body(*refs)


def kernel(input_spikes, w1, w2, targets1, targets2, max_timesteps):
    mtv = jnp.full((16,), jnp.asarray(max_timesteps, jnp.int32))
    t2 = targets2.T
    w2r = w2.astype(jnp.float32).T
    dummy = jnp.zeros((E2_T,), jnp.float32)
    times_pad, pot2_pad = _snn_sc(
        input_spikes.astype(jnp.float32), mtv, targets1,
        w1.astype(jnp.float32), t2, w2r, dummy)
    return times_pad[:OUT_SZ], pot2_pad[:OUT_SZ]

# --- scband reference (transcript-rebuilt; emitter-appended) ---
"""Pipeline reference for scband-two-digit-addition-network-78778290143909 (READ-ONLY COPY).

The authoritative reference and input builder live on the scoring server;
editing this copy changes nothing except your own understanding.
"""

import jax, jax.numpy as jnp
import numpy as np

HIDDEN = 4096
IN_SZ = 40
OUT_SZ = 22
TAU = 20.0
THRESHOLD = 0.3
ALPHA = 4.0

@jax.custom_vjp
def surrogate_spike(v):
    return (v >= THRESHOLD).astype(jnp.float32)

def _ss_fwd(v):
    return surrogate_spike(v), v

def _ss_bwd(v, g):
    s = jax.nn.sigmoid(ALPHA * (v - THRESHOLD))
    return (ALPHA * s * (1.0 - s) * g,)

surrogate_spike.defvjp(_ss_fwd, _ss_bwd)

def setup_inputs(seed: int = 0) -> dict:
    key = jax.random.key(seed)
    ks = jax.random.split(key, 5)
    fo1 = int(0.5 * HIDDEN)  # fan_out_ratio=0.5 -> 2048 targets per input neuron
    fo2 = int(0.5 * OUT_SZ)  # 11 targets per hidden neuron
    input_spikes = jax.random.uniform(ks[0], (IN_SZ,), dtype=jnp.float32)
    targets1 = jax.random.randint(ks[1], (IN_SZ, fo1), 0, HIDDEN, dtype=jnp.int32)
    targets2 = jax.random.randint(ks[2], (HIDDEN, fo2), 0, OUT_SZ, dtype=jnp.int32)
    w1 = jax.random.normal(ks[3], (IN_SZ, fo1), dtype=jnp.float32) * (1.0 / np.sqrt(IN_SZ)) + 0.05
    w2 = jax.random.normal(ks[4], (HIDDEN, fo2), dtype=jnp.float32) * (1.0 / np.sqrt(HIDDEN)) + 0.05
    return {"input_spikes": input_spikes, "w1": w1, "w2": w2,
            "targets1": targets1, "targets2": targets2, "max_timesteps": 50}

def reference(input_spikes, w1, w2, targets1, targets2, max_timesteps):
    decay = jnp.exp(jnp.asarray(-1.0 / TAU, dtype=jnp.float32))
    t1f = targets1.reshape(-1)
    t2f = targets2.reshape(-1)
    spikes0 = input_spikes.astype(jnp.float32) * 2.0
    spikes1 = jnp.zeros((HIDDEN,), dtype=jnp.float32)
    pot1 = jnp.zeros((HIDDEN,), dtype=jnp.float32)
    pot2 = jnp.zeros((OUT_SZ,), dtype=jnp.float32)
    out_times = jnp.full((OUT_SZ,), -1, dtype=jnp.int32)
    out_fired = jnp.zeros((OUT_SZ,), dtype=bool)

    def body(t, carry):
        spikes0, spikes1, pot1, pot2, out_times, out_fired = carry
        # connection 0: input -> hidden (scatter-add over cached targets)
        pot1 = pot1.at[t1f].add((spikes0[:, None] * w1).reshape(-1))
        # connection 1: hidden -> output
        pot2 = pot2.at[t2f].add((spikes1[:, None] * w2).reshape(-1))
        # hidden layer: decay, spike, soft reset
        pot1 = pot1 * decay
        s = surrogate_spike(pot1)
        spikes1 = s
        pot1 = pot1 * (1.0 - s)
        # output layer: decay, record first spike times
        pot2 = pot2 * decay
        above = pot2 >= THRESHOLD
        new_spikes = above & (~out_fired)
        out_times = jnp.where(new_spikes, t.astype(jnp.int32), out_times)
        out_fired = out_fired | above
        spikes0 = jnp.where(t == jnp.int32(0), jnp.zeros_like(spikes0), spikes0)
        return (spikes0, spikes1, pot1, pot2, out_times, out_fired)

    carry = (spikes0, spikes1, pot1, pot2, out_times, out_fired)
    carry = jax.lax.fori_loop(0, max_timesteps, body, carry)
    spikes0, spikes1, pot1, pot2, out_times, out_fired = carry
    return out_times, pot2

if __name__ == "__main__":
    import jax
    _d = setup_inputs()
    print(jax.jit(kernel)(*tuple(_d.values())))

</pallas_src>

<mosaic_0001>
#map = affine_map<(d0, d1) -> (0)>
#map1 = affine_map<(d0, d1) -> (0, 0)>
module attributes {stable_mosaic.version = 14 : i64} {
  func.func @_snn_sc(%arg0: i32, %arg1: i32, %arg2: memref<40xf32, #tpu.memory_space<hbm>>, %arg3: memref<16xi32, #tpu.memory_space<hbm>>, %arg4: memref<40x2048xi32, #tpu.memory_space<hbm>>, %arg5: memref<40x2048xf32, #tpu.memory_space<hbm>>, %arg6: memref<11x4096xi32, #tpu.memory_space<hbm>>, %arg7: memref<11x4096xf32, #tpu.memory_space<hbm>>, %arg8: memref<2816xf32, #tpu.memory_space<hbm>>, %arg9: memref<32xi32, #tpu.memory_space<hbm>>, %arg10: memref<32xf32, #tpu.memory_space<hbm>>, %arg11: memref<40xf32, #tpu.memory_space<vmem>>, %arg12: memref<16xi32, #tpu.memory_space<vmem>>, %arg13: memref<40x128xi32, #tpu.memory_space<vmem>>, %arg14: memref<40x128xf32, #tpu.memory_space<vmem>>, %arg15: memref<40x128xf32, #tpu.memory_space<vmem>>, %arg16: memref<256xf32, #tpu.memory_space<vmem>>, %arg17: memref<256xf32, #tpu.memory_space<vmem>>, %arg18: memref<11x256xi32, #tpu.memory_space<vmem>>, %arg19: memref<11x256xf32, #tpu.memory_space<vmem>>, %arg20: memref<22x128xi32, #tpu.memory_space<vmem>>, %arg21: memref<2816xf32, #tpu.memory_space<vmem>>, %arg22: memref<512xf32, #tpu.memory_space<vmem>>, %arg23: memref<32xi32, #tpu.memory_space<vmem>>, %arg24: memref<32xf32, #tpu.memory_space<vmem>>, %arg25: memref<4096xf32, #tpu.memory_space<vmem_shared>>, %arg26: memref<512xf32, #tpu.memory_space<vmem_shared>>, %arg27: memref<!tpu.dma_semaphore, #tpu.memory_space<semaphore_mem>>, %arg28: memref<!tpu.dma_semaphore, #tpu.memory_space<semaphore_mem>>) attributes {dimension_semantics = [#tpu.dimension_semantics<core_parallel>, #tpu.dimension_semantics<subcore_parallel>], iteration_bounds = array<i64: 1, 16>, scalar_prefetch = 0 : i64, scratch_operands = 18 : i64, tpu.core_type = #tpu.core_type<sc_vector_subcore>, window_params = [{transform_indices = #map}, {transform_indices = #map}, {transform_indices = #map1}, {transform_indices = #map1}, {transform_indices = #map1}, {transform_indices = #map1}, {transform_indices = #map}, {transform_indices = #map}, {transform_indices = #map}]} {
    %exp3A = arith.constant -5.000000e-02 : f32
    %exp3A_0 = math.exp %exp3A : f32
    %broadcast_in_dim3A = arith.constant 0.000000e+00 : f32
    %broadcast_in_dim3A_1 = vector.broadcast %broadcast_in_dim3A : f32 to vector<16xf32>
    tpu.enqueue_dma source(%arg2 : memref<40xf32, #tpu.memory_space<hbm>>) target(%arg11 : memref<40xf32, #tpu.memory_space<vmem>>) target_semaphore(%arg28 : memref<!tpu.dma_semaphore, #tpu.memory_space<semaphore_mem>>)
    tpu.enqueue_dma source(%arg3 : memref<16xi32, #tpu.memory_space<hbm>>) target(%arg12 : memref<16xi32, #tpu.memory_space<vmem>>) target_semaphore(%arg28 : memref<!tpu.dma_semaphore, #tpu.memory_space<semaphore_mem>>)
    %mul3A = arith.constant 256 : i32
    %mul3A_2 = arith.muli %arg1, %mul3A : i32
    %dma_start3A = arith.constant 0 : i32
    %dma_start3A_3 = tpu.memref_slice %arg6[%dma_start3A, %mul3A_2] : memref<11x4096xi32, #tpu.memory_space<hbm>> -> memref<11x256xi32, #tpu.memory_space<hbm>>
    %dma_start3A_4 = arith.constant 0 : i32
    %dma_start3A_5 = tpu.memref_slice %arg6[%dma_start3A_4, %mul3A_2] : memref<11x4096xi32, #tpu.memory_space<hbm>> -> memref<11x256xi32, #tpu.memory_space<hbm>>
    tpu.enqueue_dma source(%dma_start3A_5 : memref<11x256xi32, #tpu.memory_space<hbm>>) target(%arg18 : memref<11x256xi32, #tpu.memory_space<vmem>>) target_semaphore(%arg28 : memref<!tpu.dma_semaphore, #tpu.memory_space<semaphore_mem>>)
    %mul3A_6 = arith.constant 256 : i32
    %mul3A_7 = arith.muli %arg1, %mul3A_6 : i32
    %dma_start3A_8 = arith.constant 0 : i32
    %dma_start3A_9 = tpu.memref_slice %arg7[%dma_start3A_8, %mul3A_7] : memref<11x4096xf32, #tpu.memory_space<hbm>> -> memref<11x256xf32, #tpu.memory_space<hbm>>
    %dma_start3A_10 = arith.constant 0 : i32
    %dma_start3A_11 = tpu.memref_slice %arg7[%dma_start3A_10, %mul3A_7] : memref<11x4096xf32, #tpu.memory_space<hbm>> -> memref<11x256xf32, #tpu.memory_space<hbm>>
    tpu.enqueue_dma source(%dma_start3A_11 : memref<11x256xf32, #tpu.memory_space<hbm>>) target(%arg19 : memref<11x256xf32, #tpu.memory_space<vmem>>) target_semaphore(%arg28 : memref<!tpu.dma_semaphore, #tpu.memory_space<semaphore_mem>>)
    %mul3A_12 = arith.constant 5 : i32
    %mul3A_13 = arith.muli %arg1, %mul3A_12 : i32
    %add3A = arith.constant 0 : i32
    %add3A_14 = arith.addi %mul3A_13, %add3A : i32
    %div3A = arith.constant 16 : i32
    %div3A_15 = arith.divsi %add3A_14, %div3A : i32
    %mul3A_16 = arith.constant 8 : i32
    %mul3A_17 = arith.muli %div3A_15, %mul3A_16 : i32
    %multiple_of3A = tpu.assume_multiple %mul3A_17, 8 : i32
    %rem3A = arith.constant 16 : i32
    %rem3A_18 = arith.remsi %add3A_14, %rem3A : i32
    %mul3A_19 = arith.constant 128 : i32
    %mul3A_20 = arith.muli %rem3A_18, %mul3A_19 : i32
    %multiple_of3A_21 = tpu.assume_multiple %mul3A_20, 128 : i32
    %dma_start3A_22 = arith.constant 0 : i32
    %dma_start3A_23 = arith.constant 0 : i32
    %dma_start3A_24 = tpu.memref_slice %arg13[%dma_start3A_22, %dma_start3A_23] : memref<40x128xi32, #tpu.memory_space<vmem>> -> memref<8x128xi32, #tpu.memory_space<vmem>>
    %dma_start3A_25 = tpu.memref_slice %arg4[%multiple_of3A, %multiple_of3A_21] : memref<40x2048xi32, #tpu.memory_space<hbm>> -> memref<8x128xi32, #tpu.memory_space<hbm>>
    %dma_start3A_26 = arith.constant 0 : i32
    %dma_start3A_27 = arith.constant 0 : i32
    %dma_start3A_28 = tpu.memref_slice %arg13[%dma_start3A_26, %dma_start3A_27] : memref<40x128xi32, #tpu.memory_space<vmem>> -> memref<8x128xi32, #tpu.memory_space<vmem>>
    %dma_start3A_29 = tpu.memref_slice %arg4[%multiple_of3A, %multiple_of3A_21] : memref<40x2048xi32, #tpu.memory_space<hbm>> -> memref<8x128xi32, #tpu.memory_space<hbm>>
    tpu.enqueue_dma source(%dma_start3A_29 : memref<8x128xi32, #tpu.memory_space<hbm>>) target(%dma_start3A_28 : memref<8x128xi32, #tpu.memory_space<vmem>>) target_semaphore(%arg28 : memref<!tpu.dma_semaphore, #tpu.memory_space<semaphore_mem>>)
    %dma_start3A_30 = arith.constant 0 : i32
    %dma_start3A_31 = arith.constant 0 : i32
    %dma_start3A_32 = tpu.memref_slice %arg14[%dma_start3A_30, %dma_start3A_31] : memref<40x128xf32, #tpu.memory_space<vmem>> -> memref<8x128xf32, #tpu.memory_space<vmem>>
    %dma_start3A_33 = tpu.memref_slice %arg5[%multiple_of3A, %multiple_of3A_21] : memref<40x2048xf32, #tpu.memory_space<hbm>> -> memref<8x128xf32, #tpu.memory_space<hbm>>
    %dma_start3A_34 = arith.constant 0 : i32
    %dma_start3A_35 = arith.constant 0 : i32
    %dma_start3A_36 = tpu.memref_slice %arg14[%dma_start3A_34, %dma_start3A_35] : memref<40x128xf32, #tpu.memory_space<vmem>> -> memref<8x128xf32, #tpu.memory_space<vmem>>
    %dma_start3A_37 = tpu.memref_slice %arg5[%multiple_of3A, %multiple_of3A_21] : memref<40x2048xf32, #tpu.memory_space<hbm>> -> memref<8x128xf32, #tpu.memory_space<hbm>>
    tpu.enqueue_dma source(%dma_start3A_37 : memref<8x128xf32, #tpu.memory_space<hbm>>) target(%dma_start3A_36 : memref<8x128xf32, #tpu.memory_space<vmem>>) target_semaphore(%arg28 : memref<!tpu.dma_semaphore, #tpu.memory_space<semaphore_mem>>)
    %mul3A_38 = arith.constant 5 : i32
    %mul3A_39 = arith.muli %arg1, %mul3A_38 : i32
    %add3A_40 = arith.constant 1 : i32
    %add3A_41 = arith.addi %mul3A_39, %add3A_40 : i32
    %div3A_42 = arith.constant 16 : i32
    %div3A_43 = arith.divsi %add3A_41, %div3A_42 : i32
    %mul3A_44 = arith.constant 8 : i32
    %mul3A_45 = arith.muli %div3A_43, %mul3A_44 : i32
    %multiple_of3A_46 = tpu.assume_multiple %mul3A_45, 8 : i32
    %rem3A_47 = arith.constant 16 : i32
    %rem3A_48 = arith.remsi %add3A_41, %rem3A_47 : i32
    %mul3A_49 = arith.constant 128 : i32
    %mul3A_50 = arith.muli %rem3A_48, %mul3A_49 : i32
    %multiple_of3A_51 = tpu.assume_multiple %mul3A_50, 128 : i32
    %dma_start3A_52 = arith.constant 8 : i32
    %dma_start3A_53 = arith.constant 0 : i32
    %dma_start3A_54 = tpu.memref_slice %arg13[%dma_start3A_52, %dma_start3A_53] : memref<40x128xi32, #tpu.memory_space<vmem>> -> memref<8x128xi32, #tpu.memory_space<vmem>>
    %dma_start3A_55 = tpu.memref_slice %arg4[%multiple_of3A_46, %multiple_of3A_51] : memref<40x2048xi32, #tpu.memory_space<hbm>> -> memref<8x128xi32, #tpu.memory_space<hbm>>
    %dma_start3A_56 = arith.constant 8 : i32
    %dma_start3A_57 = arith.constant 0 : i32
    %dma_start3A_58 = tpu.memref_slice %arg13[%dma_start3A_56, %dma_start3A_57] : memref<40x128xi32, #tpu.memory_space<vmem>> -> memref<8x128xi32, #tpu.memory_space<vmem>>
    %dma_start3A_59 = tpu.memref_slice %arg4[%multiple_of3A_46, %multiple_of3A_51] : memref<40x2048xi32, #tpu.memory_space<hbm>> -> memref<8x128xi32, #tpu.memory_space<hbm>>
    tpu.enqueue_dma source(%dma_start3A_59 : memref<8x128xi32, #tpu.memory_space<hbm>>) target(%dma_start3A_58 : memref<8x128xi32, #tpu.memory_space<vmem>>) target_semaphore(%arg28 : memref<!tpu.dma_semaphore, #tpu.memory_space<semaphore_mem>>)
    %dma_start3A_60 = arith.constant 8 : i32
    %dma_start3A_61 = arith.constant 0 : i32
    %dma_start3A_62 = tpu.memref_slice %arg14[%dma_start3A_60, %dma_start3A_61] : memref<40x128xf32, #tpu.memory_space<vmem>> -> memref<8x128xf32, #tpu.memory_space<vmem>>
    %dma_start3A_63 = tpu.memref_slice %arg5[%multiple_of3A_46, %multiple_of3A_51] : memref<40x2048xf32, #tpu.memory_space<hbm>> -> memref<8x128xf32, #tpu.memory_space<hbm>>
    %dma_start3A_64 = arith.constant 8 : i32
    %dma_start3A_65 = arith.constant 0 : i32
    %dma_start3A_66 = tpu.memref_slice %arg14[%dma_start3A_64, %dma_start3A_65] : memref<40x128xf32, #tpu.memory_space<vmem>> -> memref<8x128xf32, #tpu.memory_space<vmem>>
    %dma_start3A_67 = tpu.memref_slice %arg5[%multiple_of3A_46, %multiple_of3A_51] : memref<40x2048xf32, #tpu.memory_space<hbm>> -> memref<8x128xf32, #tpu.memory_space<hbm>>
    tpu.enqueue_dma source(%dma_start3A_67 : memref<8x128xf32, #tpu.memory_space<hbm>>) target(%dma_start3A_66 : memref<8x128xf32, #tpu.memory_space<vmem>>) target_semaphore(%arg28 : memref<!tpu.dma_semaphore, #tpu.memory_space<semaphore_mem>>)
    %mul3A_68 = arith.constant 5 : i32
    %mul3A_69 = arith.muli %arg1, %mul3A_68 : i32
    %add3A_70 = arith.constant 2 : i32
    %add3A_71 = arith.addi %mul3A_69, %add3A_70 : i32
    %div3A_72 = arith.constant 16 : i32
    %div3A_73 = arith.divsi %add3A_71, %div3A_72 : i32
    %mul3A_74 = arith.constant 8 : i32
    %mul3A_75 = arith.muli %div3A_73, %mul3A_74 : i32
    %multiple_of3A_76 = tpu.assume_multiple %mul3A_75, 8 : i32
    %rem3A_77 = arith.constant 16 : i32
    %rem3A_78 = arith.remsi %add3A_71, %rem3A_77 : i32
    %mul3A_79 = arith.constant 128 : i32
    %mul3A_80 = arith.muli %rem3A_78, %mul3A_79 : i32
    %multiple_of3A_81 = tpu.assume_multiple %mul3A_80, 128 : i32
    %dma_start3A_82 = arith.constant 16 : i32
    %dma_start3A_83 = arith.constant 0 : i32
    %dma_start3A_84 = tpu.memref_slice %arg13[%dma_start3A_82, %dma_start3A_83] : memref<40x128xi32, #tpu.memory_space<vmem>> -> memref<8x128xi32, #tpu.memory_space<vmem>>
    %dma_start3A_85 = tpu.memref_slice %arg4[%multiple_of3A_76, %multiple_of3A_81] : memref<40x2048xi32, #tpu.memory_space<hbm>> -> memref<8x128xi32, #tpu.memory_space<hbm>>
    %dma_start3A_86 = arith.constant 16 : i32
    %dma_start3A_87 = arith.constant 0 : i32
    %dma_start3A_88 = tpu.memref_slice %arg13[%dma_start3A_86, %dma_start3A_87] : memref<40x128xi32, #tpu.memory_space<vmem>> -> memref<8x128xi32, #tpu.memory_space<vmem>>
    %dma_start3A_89 = tpu.memref_slice %arg4[%multiple_of3A_76, %multiple_of3A_81] : memref<40x2048xi32, #tpu.memory_space<hbm>> -> memref<8x128xi32, #tpu.memory_space<hbm>>
    tpu.enqueue_dma source(%dma_start3A_89 : memref<8x128xi32, #tpu.memory_space<hbm>>) target(%dma_start3A_88 : memref<8x128xi32, #tpu.memory_space<vmem>>) target_semaphore(%arg28 : memref<!tpu.dma_semaphore, #tpu.memory_space<semaphore_mem>>)
    %dma_start3A_90 = arith.constant 16 : i32
    %dma_start3A_91 = arith.constant 0 : i32
    %dma_start3A_92 = tpu.memref_slice %arg14[%dma_start3A_90, %dma_start3A_91] : memref<40x128xf32, #tpu.memory_space<vmem>> -> memref<8x128xf32, #tpu.memory_space<vmem>>
    %dma_start3A_93 = tpu.memref_slice %arg5[%multiple_of3A_76, %multiple_of3A_81] : memref<40x2048xf32, #tpu.memory_space<hbm>> -> memref<8x128xf32, #tpu.memory_space<hbm>>
    %dma_start3A_94 = arith.constant 16 : i32
    %dma_start3A_95 = arith.constant 0 : i32
    %dma_start3A_96 = tpu.memref_slice %arg14[%dma_start3A_94, %dma_start3A_95] : memref<40x128xf32, #tpu.memory_space<vmem>> -> memref<8x128xf32, #tpu.memory_space<vmem>>
    %dma_start3A_97 = tpu.memref_slice %arg5[%multiple_of3A_76, %multiple_of3A_81] : memref<40x2048xf32, #tpu.memory_space<hbm>> -> memref<8x128xf32, #tpu.memory_space<hbm>>
    tpu.enqueue_dma source(%dma_start3A_97 : memref<8x128xf32, #tpu.memory_space<hbm>>) target(%dma_start3A_96 : memref<8x128xf32, #tpu.memory_space<vmem>>) target_semaphore(%arg28 : memref<!tpu.dma_semaphore, #tpu.memory_space<semaphore_mem>>)
    %mul3A_98 = arith.constant 5 : i32
    %mul3A_99 = arith.muli %arg1, %mul3A_98 : i32
    %add3A_100 = arith.constant 3 : i32
    %add3A_101 = arith.addi %mul3A_99, %add3A_100 : i32
    %div3A_102 = arith.constant 16 : i32
    %div3A_103 = arith.divsi %add3A_101, %div3A_102 : i32
    %mul3A_104 = arith.constant 8 : i32
    %mul3A_105 = arith.muli %div3A_103, %mul3A_104 : i32
    %multiple_of3A_106 = tpu.assume_multiple %mul3A_105, 8 : i32
    %rem3A_107 = arith.constant 16 : i32
    %rem3A_108 = arith.remsi %add3A_101, %rem3A_107 : i32
    %mul3A_109 = arith.constant 128 : i32
    %mul3A_110 = arith.muli %rem3A_108, %mul3A_109 : i32
    %multiple_of3A_111 = tpu.assume_multiple %mul3A_110, 128 : i32
    %dma_start3A_112 = arith.constant 24 : i32
    %dma_start3A_113 = arith.constant 0 : i32
    %dma_start3A_114 = tpu.memref_slice %arg13[%dma_start3A_112, %dma_start3A_113] : memref<40x128xi32, #tpu.memory_space<vmem>> -> memref<8x128xi32, #tpu.memory_space<vmem>>
    %dma_start3A_115 = tpu.memref_slice %arg4[%multiple_of3A_106, %multiple_of3A_111] : memref<40x2048xi32, #tpu.memory_space<hbm>> -> memref<8x128xi32, #tpu.memory_space<hbm>>
    %dma_start3A_116 = arith.constant 24 : i32
    %dma_start3A_117 = arith.constant 0 : i32
    %dma_start3A_118 = tpu.memref_slice %arg13[%dma_start3A_116, %dma_start3A_117] : memref<40x128xi32, #tpu.memory_space<vmem>> -> memref<8x128xi32, #tpu.memory_space<vmem>>
    %dma_start3A_119 = tpu.memref_slice %arg4[%multiple_of3A_106, %multiple_of3A_111] : memref<40x2048xi32, #tpu.memory_space<hbm>> -> memref<8x128xi32, #tpu.memory_space<hbm>>
    tpu.enqueue_dma source(%dma_start3A_119 : memref<8x128xi32, #tpu.memory_space<hbm>>) target(%dma_start3A_118 : memref<8x128xi32, #tpu.memory_space<vmem>>) target_semaphore(%arg28 : memref<!tpu.dma_semaphore, #tpu.memory_space<semaphore_mem>>)
    %dma_start3A_120 = arith.constant 24 : i32
    %dma_start3A_121 = arith.constant 0 : i32
    %dma_start3A_122 = tpu.memref_slice %arg14[%dma_start3A_120, %dma_start3A_121] : memref<40x128xf32, #tpu.memory_space<vmem>> -> memref<8x128xf32, #tpu.memory_space<vmem>>
    %dma_start3A_123 = tpu.memref_slice %arg5[%multiple_of3A_106, %multiple_of3A_111] : memref<40x2048xf32, #tpu.memory_space<hbm>> -> memref<8x128xf32, #tpu.memory_space<hbm>>
    %dma_start3A_124 = arith.constant 24 : i32
    %dma_start3A_125 = arith.constant 0 : i32
    %dma_start3A_126 = tpu.memref_slice %arg14[%dma_start3A_124, %dma_start3A_125] : memref<40x128xf32, #tpu.memory_space<vmem>> -> memref<8x128xf32, #tpu.memory_space<vmem>>
    %dma_start3A_127 = tpu.memref_slice %arg5[%multiple_of3A_106, %multiple_of3A_111] : memref<40x2048xf32, #tpu.memory_space<hbm>> -> memref<8x128xf32, #tpu.memory_space<hbm>>
    tpu.enqueue_dma source(%dma_start3A_127 : memref<8x128xf32, #tpu.memory_space<hbm>>) target(%dma_start3A_126 : memref<8x128xf32, #tpu.memory_space<vmem>>) target_semaphore(%arg28 : memref<!tpu.dma_semaphore, #tpu.memory_space<semaphore_mem>>)
    %mul3A_128 = arith.constant 5 : i32
    %mul3A_129 = arith.muli %arg1, %mul3A_128 : i32
    %add3A_130 = arith.constant 4 : i32
    %add3A_131 = arith.addi %mul3A_129, %add3A_130 : i32
    %div3A_132 = arith.constant 16 : i32
    %div3A_133 = arith.divsi %add3A_131, %div3A_132 : i32
    %mul3A_134 = arith.constant 8 : i32
    %mul3A_135 = arith.muli %div3A_133, %mul3A_134 : i32
    %multiple_of3A_136 = tpu.assume_multiple %mul3A_135, 8 : i32
    %rem3A_137 = arith.constant 16 : i32
    %rem3A_138 = arith.remsi %add3A_131, %rem3A_137 : i32
    %mul3A_139 = arith.constant 128 : i32
    %mul3A_140 = arith.muli %rem3A_138, %mul3A_139 : i32
    %multiple_of3A_141 = tpu.assume_multiple %mul3A_140, 128 : i32
    %dma_start3A_142 = arith.constant 32 : i32
    %dma_start3A_143 = arith.constant 0 : i32
    %dma_start3A_144 = tpu.memref_slice %arg13[%dma_start3A_142, %dma_start3A_143] : memref<40x128xi32, #tpu.memory_space<vmem>> -> memref<8x128xi32, #tpu.memory_space<vmem>>
    %dma_start3A_145 = tpu.memref_slice %arg4[%multiple_of3A_136, %multiple_of3A_141] : memref<40x2048xi32, #tpu.memory_space<hbm>> -> memref<8x128xi32, #tpu.memory_space<hbm>>
    %dma_start3A_146 = arith.constant 32 : i32
    %dma_start3A_147 = arith.constant 0 : i32
    %dma_start3A_148 = tpu.memref_slice %arg13[%dma_start3A_146, %dma_start3A_147] : memref<40x128xi32, #tpu.memory_space<vmem>> -> memref<8x128xi32, #tpu.memory_space<vmem>>
    %dma_start3A_149 = tpu.memref_slice %arg4[%multiple_of3A_136, %multiple_of3A_141] : memref<40x2048xi32, #tpu.memory_space<hbm>> -> memref<8x128xi32, #tpu.memory_space<hbm>>
    tpu.enqueue_dma source(%dma_start3A_149 : memref<8x128xi32, #tpu.memory_space<hbm>>) target(%dma_start3A_148 : memref<8x128xi32, #tpu.memory_space<vmem>>) target_semaphore(%arg28 : memref<!tpu.dma_semaphore, #tpu.memory_space<semaphore_mem>>)
    %dma_start3A_150 = arith.constant 32 : i32
    %dma_start3A_151 = arith.constant 0 : i32
    %dma_start3A_152 = tpu.memref_slice %arg14[%dma_start3A_150, %dma_start3A_151] : memref<40x128xf32, #tpu.memory_space<vmem>> -> memref<8x128xf32, #tpu.memory_space<vmem>>
    %dma_start3A_153 = tpu.memref_slice %arg5[%multiple_of3A_136, %multiple_of3A_141] : memref<40x2048xf32, #tpu.memory_space<hbm>> -> memref<8x128xf32, #tpu.memory_space<hbm>>
    %dma_start3A_154 = arith.constant 32 : i32
    %dma_start3A_155 = arith.constant 0 : i32
    %dma_start3A_156 = tpu.memref_slice %arg14[%dma_start3A_154, %dma_start3A_155] : memref<40x128xf32, #tpu.memory_space<vmem>> -> memref<8x128xf32, #tpu.memory_space<vmem>>
    %dma_start3A_157 = tpu.memref_slice %arg5[%multiple_of3A_136, %multiple_of3A_141] : memref<40x2048xf32, #tpu.memory_space<hbm>> -> memref<8x128xf32, #tpu.memory_space<hbm>>
    tpu.enqueue_dma source(%dma_start3A_157 : memref<8x128xf32, #tpu.memory_space<hbm>>) target(%dma_start3A_156 : memref<8x128xf32, #tpu.memory_space<vmem>>) target_semaphore(%arg28 : memref<!tpu.dma_semaphore, #tpu.memory_space<semaphore_mem>>)
    %scan3A = arith.constant 0 : i32
    %scan3A_158 = arith.constant 0 : i32
    %scan3A_159 = arith.constant 16 : i32
    %scan3A_160 = arith.addi %scan3A_158, %scan3A_159 : i32
    %scan3A_161 = arith.constant 1 : i32
    scf.for %scan3A_297 = %scan3A_158 to %scan3A_160 step %scan3A_161  : i32 {
      %mul3A_298 = arith.constant 16 : i32
      %mul3A_299 = arith.muli %scan3A_297, %mul3A_298 : i32
      %swap3A = arith.index_cast %mul3A_299 : i32 to index
      %swap3A_300 = tpu.vector_load %arg16[%swap3A] {strides = array<i32>} : memref<256xf32, #tpu.memory_space<vmem>>, vector<16xf32>,
      tpu.vector_store %arg16[%swap3A], %broadcast_in_dim3A_1 {strides = array<i32>} : memref<256xf32, #tpu.memory_space<vmem>>, vector<16xf32>,
    }
    %scan3A_162 = arith.constant 16 : i32
    %mul3A_163 = arith.constant 256 : i32
    %mul3A_164 = arith.muli %arg1, %mul3A_163 : i32
    "tpu.region"() ({
      %run_scoped3A = tpu.sem_alloc : memref<!tpu.dma_semaphore, #tpu.memory_space<semaphore_mem>>
      %dma_start3A_297 = tpu.memref_slice %arg25[%mul3A_164] : memref<4096xf32, #tpu.memory_space<vmem_shared>> -> memref<256xf32, #tpu.memory_space<vmem_shared>>
      %dma_start3A_298 = tpu.memref_slice %arg25[%mul3A_164] : memref<4096xf32, #tpu.memory_space<vmem_shared>> -> memref<256xf32, #tpu.memory_space<vmem_shared>>
      tpu.enqueue_dma source(%arg16 : memref<256xf32, #tpu.memory_space<vmem>>) target(%dma_start3A_298 : memref<256xf32, #tpu.memory_space<vmem_shared>>) target_semaphore(%run_scoped3A : memref<!tpu.dma_semaphore, #tpu.memory_space<semaphore_mem>>)
      %dma_wait3A_299 = tpu.memref_slice %arg25[%mul3A_164] : memref<4096xf32, #tpu.memory_space<vmem_shared>> -> memref<256xf32, #tpu.memory_space<vmem_shared>>
      %dma_wait3A_300 = tpu.memref_slice %arg25[%mul3A_164] : memref<4096xf32, #tpu.memory_space<vmem_shared>> -> memref<256xf32, #tpu.memory_space<vmem_shared>>
      tpu.wait_dma2 semaphore(%run_scoped3A : memref<!tpu.dma_semaphore, #tpu.memory_space<semaphore_mem>>) src(%arg16 : memref<256xf32, #tpu.memory_space<vmem>>) dst(%dma_wait3A_300 : memref<256xf32, #tpu.memory_space<vmem_shared>>)
      tpu.yield
    }) : () -> ()
    %mul3A_165 = arith.constant 32 : i32
    %mul3A_166 = arith.muli %arg1, %mul3A_165 : i32
    "tpu.region"() ({
      %run_scoped3A = tpu.sem_alloc : memref<!tpu.dma_semaphore, #tpu.memory_space<semaphore_mem>>
      %dma_start3A_297 = arith.constant 0 : i32
      %dma_start3A_298 = tpu.memref_slice %arg16[%dma_start3A_297] : memref<256xf32, #tpu.memory_space<vmem>> -> memref<32xf32, #tpu.memory_space<vmem>>
      %dma_start3A_299 = tpu.memref_slice %arg26[%mul3A_166] : memref<512xf32, #tpu.memory_space<vmem_shared>> -> memref<32xf32, #tpu.memory_space<vmem_shared>>
      %dma_start3A_300 = tpu.memref_slice %arg26[%mul3A_166] : memref<512xf32, #tpu.memory_space<vmem_shared>> -> memref<32xf32, #tpu.memory_space<vmem_shared>>
      %dma_start3A_301 = arith.constant 0 : i32
      %dma_start3A_302 = tpu.memref_slice %arg16[%dma_start3A_301] : memref<256xf32, #tpu.memory_space<vmem>> -> memref<32xf32, #tpu.memory_space<vmem>>
      tpu.enqueue_dma source(%dma_start3A_302 : memref<32xf32, #tpu.memory_space<vmem>>) target(%dma_start3A_300 : memref<32xf32, #tpu.memory_space<vmem_shared>>) target_semaphore(%run_scoped3A : memref<!tpu.dma_semaphore, #tpu.memory_space<semaphore_mem>>)
      %dma_wait3A_303 = arith.constant 0 : i32
      %dma_wait3A_304 = tpu.memref_slice %arg16[%dma_wait3A_303] : memref<256xf32, #tpu.memory_space<vmem>> -> memref<32xf32, #tpu.memory_space<vmem>>
      %dma_wait3A_305 = tpu.memref_slice %arg26[%mul3A_166] : memref<512xf32, #tpu.memory_space<vmem_shared>> -> memref<32xf32, #tpu.memory_space<vmem_shared>>
      %dma_wait3A_306 = tpu.memref_slice %arg26[%mul3A_166] : memref<512xf32, #tpu.memory_space<vmem_shared>> -> memref<32xf32, #tpu.memory_space<vmem_shared>>
      %dma_wait3A_307 = arith.constant 0 : i32
      %dma_wait3A_308 = tpu.memref_slice %arg16[%dma_wait3A_307] : memref<256xf32, #tpu.memory_space<vmem>> -> memref<32xf32, #tpu.memory_space<vmem>>
      tpu.wait_dma2 semaphore(%run_scoped3A : memref<!tpu.dma_semaphore, #tpu.memory_space<semaphore_mem>>) src(%dma_wait3A_308 : memref<32xf32, #tpu.memory_space<vmem>>) dst(%dma_wait3A_306 : memref<32xf32, #tpu.memory_space<vmem_shared>>)
      tpu.yield
    }) : () -> ()
    tpu.wait_dma2 semaphore(%arg28 : memref<!tpu.dma_semaphore, #tpu.memory_space<semaphore_mem>>) src(%arg2 : memref<40xf32, #tpu.memory_space<hbm>>) dst(%arg11 : memref<40xf32, #tpu.memory_space<vmem>>)
    tpu.wait_dma2 semaphore(%arg28 : memref<!tpu.dma_semaphore, #tpu.memory_space<semaphore_mem>>) src(%arg3 : memref<16xi32, #tpu.memory_space<hbm>>) dst(%arg12 : memref<16xi32, #tpu.memory_space<vmem>>)
    %dma_wait3A = arith.constant 0 : i32
    %dma_wait3A_167 = tpu.memref_slice %arg6[%dma_wait3A, %mul3A_2] : memref<11x4096xi32, #tpu.memory_space<hbm>> -> memref<11x256xi32, #tpu.memory_space<hbm>>
    %dma_wait3A_168 = arith.constant 0 : i32
    %dma_wait3A_169 = tpu.memref_slice %arg6[%dma_wait3A_168, %mul3A_2] : memref<11x4096xi32, #tpu.memory_space<hbm>> -> memref<11x256xi32, #tpu.memory_space<hbm>>
    tpu.wait_dma2 semaphore(%arg28 : memref<!tpu.dma_semaphore, #tpu.memory_space<semaphore_mem>>) src(%dma_wait3A_169 : memref<11x256xi32, #tpu.memory_space<hbm>>) dst(%arg18 : memref<11x256xi32, #tpu.memory_space<vmem>>)
    %dma_wait3A_170 = arith.constant 0 : i32
    %dma_wait3A_171 = tpu.memref_slice %arg7[%dma_wait3A_170, %mul3A_7] : memref<11x4096xf32, #tpu.memory_space<hbm>> -> memref<11x256xf32, #tpu.memory_space<hbm>>
    %dma_wait3A_172 = arith.constant 0 : i32
    %dma_wait3A_173 = tpu.memref_slice %arg7[%dma_wait3A_172, %mul3A_7] : memref<11x4096xf32, #tpu.memory_space<hbm>> -> memref<11x256xf32, #tpu.memory_space<hbm>>
    tpu.wait_dma2 semaphore(%arg28 : memref<!tpu.dma_semaphore, #tpu.memory_space<semaphore_mem>>) src(%dma_wait3A_173 : memref<11x256xf32, #tpu.memory_space<hbm>>) dst(%arg19 : memref<11x256xf32, #tpu.memory_space<vmem>>)
    %dma_wait3A_174 = arith.constant 0 : i32
    %dma_wait3A_175 = arith.constant 0 : i32
    %dma_wait3A_176 = tpu.memref_slice %arg13[%dma_wait3A_174, %dma_wait3A_175] : memref<40x128xi32, #tpu.memory_space<vmem>> -> memref<8x128xi32, #tpu.memory_space<vmem>>
    %dma_wait3A_177 = tpu.memref_slice %arg4[%multiple_of3A, %multiple_of3A_21] : memref<40x2048xi32, #tpu.memory_space<hbm>> -> memref<8x128xi32, #tpu.memory_space<hbm>>
    %dma_wait3A_178 = arith.constant 0 : i32
    %dma_wait3A_179 = arith.constant 0 : i32
    %dma_wait3A_180 = tpu.memref_slice %arg13[%dma_wait3A_178, %dma_wait3A_179] : memref<40x128xi32, #tpu.memory_space<vmem>> -> memref<8x128xi32, #tpu.memory_space<vmem>>
    %dma_wait3A_181 = tpu.memref_slice %arg4[%multiple_of3A, %multiple_of3A_21] : memref<40x2048xi32, #tpu.memory_space<hbm>> -> memref<8x128xi32, #tpu.memory_space<hbm>>
    tpu.wait_dma2 semaphore(%arg28 : memref<!tpu.dma_semaphore, #tpu.memory_space<semaphore_mem>>) src(%dma_wait3A_181 : memref<8x128xi32, #tpu.memory_space<hbm>>) dst(%dma_wait3A_180 : memref<8x128xi32, #tpu.memory_space<vmem>>)
    %dma_wait3A_182 = arith.constant 0 : i32
    %dma_wait3A_183 = arith.constant 0 : i32
    %dma_wait3A_184 = tpu.memref_slice %arg14[%dma_wait3A_182, %dma_wait3A_183] : memref<40x128xf32, #tpu.memory_space<vmem>> -> memref<8x128xf32, #tpu.memory_space<vmem>>
    %dma_wait3A_185 = tpu.memref_slice %arg5[%multiple_of3A, %multiple_of3A_21] : memref<40x2048xf32, #tpu.memory_space<hbm>> -> memref<8x128xf32, #tpu.memory_space<hbm>>
    %dma_wait3A_186 = arith.constant 0 : i32
    %dma_wait3A_187 = arith.constant 0 : i32
    %dma_wait3A_188 = tpu.memref_slice %arg14[%dma_wait3A_186, %dma_wait3A_187] : memref<40x128xf32, #tpu.memory_space<vmem>> -> memref<8x128xf32, #tpu.memory_space<vmem>>
    %dma_wait3A_189 = tpu.memref_slice %arg5[%multiple_of3A, %multiple_of3A_21] : memref<40x2048xf32, #tpu.memory_space<hbm>> -> memref<8x128xf32, #tpu.memory_space<hbm>>
    tpu.wait_dma2 semaphore(%arg28 : memref<!tpu.dma_semaphore, #tpu.memory_space<semaphore_mem>>) src(%dma_wait3A_189 : memref<8x128xf32, #tpu.memory_space<hbm>>) dst(%dma_wait3A_188 : memref<8x128xf32, #tpu.memory_space<vmem>>)
    %dma_wait3A_190 = arith.constant 8 : i32
    %dma_wait3A_191 = arith.constant 0 : i32
    %dma_wait3A_192 = tpu.memref_slice %arg13[%dma_wait3A_190, %dma_wait3A_191] : memref<40x128xi32, #tpu.memory_space<vmem>> -> memref<8x128xi32, #tpu.memory_space<vmem>>
    %dma_wait3A_193 = tpu.memref_slice %arg4[%multiple_of3A_46, %multiple_of3A_51] : memref<40x2048xi32, #tpu.memory_space<hbm>> -> memref<8x128xi32, #tpu.memory_space<hbm>>
    %dma_wait3A_194 = arith.constant 8 : i32
    %dma_wait3A_195 = arith.constant 0 : i32
    %dma_wait3A_196 = tpu.memref_slice %arg13[%dma_wait3A_194, %dma_wait3A_195] : memref<40x128xi32, #tpu.memory_space<vmem>> -> memref<8x128xi32, #tpu.memory_space<vmem>>
    %dma_wait3A_197 = tpu.memref_slice %arg4[%multiple_of3A_46, %multiple_of3A_51] : memref<40x2048xi32, #tpu.memory_space<hbm>> -> memref<8x128xi32, #tpu.memory_space<hbm>>
    tpu.wait_dma2 semaphore(%arg28 : memref<!tpu.dma_semaphore, #tpu.memory_space<semaphore_mem>>) src(%dma_wait3A_197 : memref<8x128xi32, #tpu.memory_space<hbm>>) dst(%dma_wait3A_196 : memref<8x128xi32, #tpu.memory_space<vmem>>)
    %dma_wait3A_198 = arith.constant 8 : i32
    %dma_wait3A_199 = arith.constant 0 : i32
    %dma_wait3A_200 = tpu.memref_slice %arg14[%dma_wait3A_198, %dma_wait3A_199] : memref<40x128xf32, #tpu.memory_space<vmem>> -> memref<8x128xf32, #tpu.memory_space<vmem>>
    %dma_wait3A_201 = tpu.memref_slice %arg5[%multiple_of3A_46, %multiple_of3A_51] : memref<40x2048xf32, #tpu.memory_space<hbm>> -> memref<8x128xf32, #tpu.memory_space<hbm>>
    %dma_wait3A_202 = arith.constant 8 : i32
    %dma_wait3A_203 = arith.constant 0 : i32
    %dma_wait3A_204 = tpu.memref_slice %arg14[%dma_wait3A_202, %dma_wait3A_203] : memref<40x128xf32, #tpu.memory_space<vmem>> -> memref<8x128xf32, #tpu.memory_space<vmem>>
    %dma_wait3A_205 = tpu.memref_slice %arg5[%multiple_of3A_46, %multiple_of3A_51] : memref<40x2048xf32, #tpu.memory_space<hbm>> -> memref<8x128xf32, #tpu.memory_space<hbm>>
    tpu.wait_dma2 semaphore(%arg28 : memref<!tpu.dma_semaphore, #tpu.memory_space<semaphore_mem>>) src(%dma_wait3A_205 : memref<8x128xf32, #tpu.memory_space<hbm>>) dst(%dma_wait3A_204 : memref<8x128xf32, #tpu.memory_space<vmem>>)
    %dma_wait3A_206 = arith.constant 16 : i32
    %dma_wait3A_207 = arith.constant 0 : i32
    %dma_wait3A_208 = tpu.memref_slice %arg13[%dma_wait3A_206, %dma_wait3A_207] : memref<40x128xi32, #tpu.memory_space<vmem>> -> memref<8x128xi32, #tpu.memory_space<vmem>>
    %dma_wait3A_209 = tpu.memref_slice %arg4[%multiple_of3A_76, %multiple_of3A_81] : memref<40x2048xi32, #tpu.memory_space<hbm>> -> memref<8x128xi32, #tpu.memory_space<hbm>>
    %dma_wait3A_210 = arith.constant 16 : i32
    %dma_wait3A_211 = arith.constant 0 : i32
    %dma_wait3A_212 = tpu.memref_slice %arg13[%dma_wait3A_210, %dma_wait3A_211] : memref<40x128xi32, #tpu.memory_space<vmem>> -> memref<8x128xi32, #tpu.memory_space<vmem>>
    %dma_wait3A_213 = tpu.memref_slice %arg4[%multiple_of3A_76, %multiple_of3A_81] : memref<40x2048xi32, #tpu.memory_space<hbm>> -> memref<8x128xi32, #tpu.memory_space<hbm>>
    tpu.wait_dma2 semaphore(%arg28 : memref<!tpu.dma_semaphore, #tpu.memory_space<semaphore_mem>>) src(%dma_wait3A_213 : memref<8x128xi32, #tpu.memory_space<hbm>>) dst(%dma_wait3A_212 : memref<8x128xi32, #tpu.memory_space<vmem>>)
    %dma_wait3A_214 = arith.constant 16 : i32
    %dma_wait3A_215 = arith.constant 0 : i32
    %dma_wait3A_216 = tpu.memref_slice %arg14[%dma_wait3A_214, %dma_wait3A_215] : memref<40x128xf32, #tpu.memory_space<vmem>> -> memref<8x128xf32, #tpu.memory_space<vmem>>
    %dma_wait3A_217 = tpu.memref_slice %arg5[%multiple_of3A_76, %multiple_of3A_81] : memref<40x2048xf32, #tpu.memory_space<hbm>> -> memref<8x128xf32, #tpu.memory_space<hbm>>
    %dma_wait3A_218 = arith.constant 16 : i32
    %dma_wait3A_219 = arith.constant 0 : i32
    %dma_wait3A_220 = tpu.memref_slice %arg14[%dma_wait3A_218, %dma_wait3A_219] : memref<40x128xf32, #tpu.memory_space<vmem>> -> memref<8x128xf32, #tpu.memory_space<vmem>>
    %dma_wait3A_221 = tpu.memref_slice %arg5[%multiple_of3A_76, %multiple_of3A_81] : memref<40x2048xf32, #tpu.memory_space<hbm>> -> memref<8x128xf32, #tpu.memory_space<hbm>>
    tpu.wait_dma2 semaphore(%arg28 : memref<!tpu.dma_semaphore, #tpu.memory_space<semaphore_mem>>) src(%dma_wait3A_221 : memref<8x128xf32, #tpu.memory_space<hbm>>) dst(%dma_wait3A_220 : memref<8x128xf32, #tpu.memory_space<vmem>>)
    %dma_wait3A_222 = arith.constant 24 : i32
    %dma_wait3A_223 = arith.constant 0 : i32
    %dma_wait3A_224 = tpu.memref_slice %arg13[%dma_wait3A_222, %dma_wait3A_223] : memref<40x128xi32, #tpu.memory_space<vmem>> -> memref<8x128xi32, #tpu.memory_space<vmem>>
    %dma_wait3A_225 = tpu.memref_slice %arg4[%multiple_of3A_106, %multiple_of3A_111] : memref<40x2048xi32, #tpu.memory_space<hbm>> -> memref<8x128xi32, #tpu.memory_space<hbm>>
    %dma_wait3A_226 = arith.constant 24 : i32
    %dma_wait3A_227 = arith.constant 0 : i32
    %dma_wait3A_228 = tpu.memref_slice %arg13[%dma_wait3A_226, %dma_wait3A_227] : memref<40x128xi32, #tpu.memory_space<vmem>> -> memref<8x128xi32, #tpu.memory_space<vmem>>
    %dma_wait3A_229 = tpu.memref_slice %arg4[%multiple_of3A_106, %multiple_of3A_111] : memref<40x2048xi32, #tpu.memory_space<hbm>> -> memref<8x128xi32, #tpu.memory_space<hbm>>
    tpu.wait_dma2 semaphore(%arg28 : memref<!tpu.dma_semaphore, #tpu.memory_space<semaphore_mem>>) src(%dma_wait3A_229 : memref<8x128xi32, #tpu.memory_space<hbm>>) dst(%dma_wait3A_228 : memref<8x128xi32, #tpu.memory_space<vmem>>)
    %dma_wait3A_230 = arith.constant 24 : i32
    %dma_wait3A_231 = arith.constant 0 : i32
    %dma_wait3A_232 = tpu.memref_slice %arg14[%dma_wait3A_230, %dma_wait3A_231] : memref<40x128xf32, #tpu.memory_space<vmem>> -> memref<8x128xf32, #tpu.memory_space<vmem>>
    %dma_wait3A_233 = tpu.memref_slice %arg5[%multiple_of3A_106, %multiple_of3A_111] : memref<40x2048xf32, #tpu.memory_space<hbm>> -> memref<8x128xf32, #tpu.memory_space<hbm>>
    %dma_wait3A_234 = arith.constant 24 : i32
    %dma_wait3A_235 = arith.constant 0 : i32
    %dma_wait3A_236 = tpu.memref_slice %arg14[%dma_wait3A_234, %dma_wait3A_235] : memref<40x128xf32, #tpu.memory_space<vmem>> -> memref<8x128xf32, #tpu.memory_space<vmem>>
    %dma_wait3A_237 = tpu.memref_slice %arg5[%multiple_of3A_106, %multiple_of3A_111] : memref<40x2048xf32, #tpu.memory_space<hbm>> -> memref<8x128xf32, #tpu.memory_space<hbm>>
    tpu.wait_dma2 semaphore(%arg28 : memref<!tpu.dma_semaphore, #tpu.memory_space<semaphore_mem>>) src(%dma_wait3A_237 : memref<8x128xf32, #tpu.memory_space<hbm>>) dst(%dma_wait3A_236 : memref<8x128xf32, #tpu.memory_space<vmem>>)
    %dma_wait3A_238 = arith.constant 32 : i32
    %dma_wait3A_239 = arith.constant 0 : i32
    %dma_wait3A_240 = tpu.memref_slice %arg13[%dma_wait3A_238, %dma_wait3A_239] : memref<40x128xi32, #tpu.memory_space<vmem>> -> memref<8x128xi32, #tpu.memory_space<vmem>>
    %dma_wait3A_241 = tpu.memref_slice %arg4[%multiple_of3A_136, %multiple_of3A_141] : memref<40x2048xi32, #tpu.memory_space<hbm>> -> memref<8x128xi32, #tpu.memory_space<hbm>>
    %dma_wait3A_242 = arith.constant 32 : i32
    %dma_wait3A_243 = arith.constant 0 : i32
    %dma_wait3A_244 = tpu.memref_slice %arg13[%dma_wait3A_242, %dma_wait3A_243] : memref<40x128xi32, #tpu.memory_space<vmem>> -> memref<8x128xi32, #tpu.memory_space<vmem>>
    %dma_wait3A_245 = tpu.memref_slice %arg4[%multiple_of3A_136, %multiple_of3A_141] : memref<40x2048xi32, #tpu.memory_space<hbm>> -> memref<8x128xi32, #tpu.memory_space<hbm>>
    tpu.wait_dma2 semaphore(%arg28 : memref<!tpu.dma_semaphore, #tpu.memory_space<semaphore_mem>>) src(%dma_wait3A_245 : memref<8x128xi32, #tpu.memory_space<hbm>>) dst(%dma_wait3A_244 : memref<8x128xi32, #tpu.memory_space<vmem>>)
    %dma_wait3A_246 = arith.constant 32 : i32
    %dma_wait3A_247 = arith.constant 0 : i32
    %dma_wait3A_248 = tpu.memref_slice %arg14[%dma_wait3A_246, %dma_wait3A_247] : memref<40x128xf32, #tpu.memory_space<vmem>> -> memref<8x128xf32, #tpu.memory_space<vmem>>
    %dma_wait3A_249 = tpu.memref_slice %arg5[%multiple_of3A_136, %multiple_of3A_141] : memref<40x2048xf32, #tpu.memory_space<hbm>> -> memref<8x128xf32, #tpu.memory_space<hbm>>
    %dma_wait3A_250 = arith.constant 32 : i32
    %dma_wait3A_251 = arith.constant 0 : i32
    %dma_wait3A_252 = tpu.memref_slice %arg14[%dma_wait3A_250, %dma_wait3A_251] : memref<40x128xf32, #tpu.memory_space<vmem>> -> memref<8x128xf32, #tpu.memory_space<vmem>>
    %dma_wait3A_253 = tpu.memref_slice %arg5[%multiple_of3A_136, %multiple_of3A_141] : memref<40x2048xf32, #tpu.memory_space<hbm>> -> memref<8x128xf32, #tpu.memory_space<hbm>>
    tpu.wait_dma2 semaphore(%arg28 : memref<!tpu.dma_semaphore, #tpu.memory_space<semaphore_mem>>) src(%dma_wait3A_253 : memref<8x128xf32, #tpu.memory_space<hbm>>) dst(%dma_wait3A_252 : memref<8x128xf32, #tpu.memory_space<vmem>>)
    %barrier3A = arith.constant 0 : index
    tpu.barrier barrier_id(%barrier3A)
    %scan3A_254 = arith.constant 0 : i32
    %scan3A_255 = arith.constant 0 : i32
    %scan3A_256 = arith.constant 20 : i32
    %scan3A_257 = arith.addi %scan3A_255, %scan3A_256 : i32
    %scan3A_258 = arith.constant 1 : i32
    scf.for %scan3A_297 = %scan3A_255 to %scan3A_257 step %scan3A_258  : i32 {
      %mul3A_298 = arith.constant 2 : i32
      %mul3A_299 = arith.muli %scan3A_297, %mul3A_298 : i32
      %add3A_300 = arith.constant 0 : i32
      %add3A_301 = arith.addi %mul3A_299, %add3A_300 : i32
      %mul3A_302 = arith.constant 5 : i32
      %mul3A_303 = arith.muli %arg1, %mul3A_302 : i32
      %div3A_304 = arith.constant 8 : i32
      %div3A_305 = arith.divsi %add3A_301, %div3A_304 : i32
      %add3A_306 = arith.addi %mul3A_303, %div3A_305 : i32
      %div3A_307 = arith.constant 16 : i32
      %div3A_308 = arith.divsi %add3A_306, %div3A_307 : i32
      %mul3A_309 = arith.constant 8 : i32
      %mul3A_310 = arith.muli %div3A_308, %mul3A_309 : i32
      %rem3A_311 = arith.constant 8 : i32
      %rem3A_312 = arith.remsi %add3A_301, %rem3A_311 : i32
      %add3A_313 = arith.addi %mul3A_310, %rem3A_312 : i32
      %broadcast_in_dim3A_314 = vector.broadcast %add3A_313 : i32 to vector<16xi32>
      %gather3A = tpu.vector_load_idx %arg11[%broadcast_in_dim3A_314] : memref<40xf32, #tpu.memory_space<vmem>>[vector<16xi32>], vector<16xf32>,
      %add3A_315 = arith.addf %gather3A, %gather3A : vector<16xf32>
      %get3A_316 = arith.index_cast %add3A_301 : i32 to index
      %get3A_317 = arith.constant 0 : index
      %get3A_318 = tpu.vector_load %arg14[%get3A_316, %get3A_317] {strides = array<i32>} : memref<40x128xf32, #tpu.memory_space<vmem>>, vector<16xf32>,
      %mul3A_319 = arith.mulf %add3A_315, %get3A_318 : vector<16xf32>
      %swap3A = arith.index_cast %add3A_301 : i32 to index
      %swap3A_320 = arith.constant 0 : index
      %swap3A_321 = tpu.vector_load %arg15[%swap3A, %swap3A_320] {strides = array<i32>} : memref<40x128xf32, #tpu.memory_space<vmem>>, vector<16xf32>,
      tpu.vector_store %arg15[%swap3A, %swap3A_320], %mul3A_319 {strides = array<i32>} : memref<40x128xf32, #tpu.memory_space<vmem>>, vector<16xf32>,
      %get3A_322 = arith.index_cast %add3A_301 : i32 to index
      %get3A_323 = arith.constant 16 : index
      %get3A_324 = tpu.vector_load %arg14[%get3A_322, %get3A_323] {strides = array<i32>} : memref<40x128xf32, #tpu.memory_space<vmem>>, vector<16xf32>,
      %mul3A_325 = arith.mulf %add3A_315, %get3A_324 : vector<16xf32>
      %swap3A_326 = arith.index_cast %add3A_301 : i32 to index
      %swap3A_327 = arith.constant 16 : index
      %swap3A_328 = tpu.vector_load %arg15[%swap3A_326, %swap3A_327] {strides = array<i32>} : memref<40x128xf32, #tpu.memory_space<vmem>>, vector<16xf32>,
      tpu.vector_store %arg15[%swap3A_326, %swap3A_327], %mul3A_325 {strides = array<i32>} : memref<40x128xf32, #tpu.memory_space<vmem>>, vector<16xf32>,
      %get3A_329 = arith.index_cast %add3A_301 : i32 to index
      %get3A_330 = arith.constant 32 : index
      %get3A_331 = tpu.vector_load %arg14[%get3A_329, %get3A_330] {strides = array<i32>} : memref<40x128xf32, #tpu.memory_space<vmem>>, vector<16xf32>,
      %mul3A_332 = arith.mulf %add3A_315, %get3A_331 : vector<16xf32>
      %swap3A_333 = arith.index_cast %add3A_301 : i32 to index
      %swap3A_334 = arith.constant 32 : index
      %swap3A_335 = tpu.vector_load %arg15[%swap3A_333, %swap3A_334] {strides = array<i32>} : memref<40x128xf32, #tpu.memory_space<vmem>>, vector<16xf32>,
      tpu.vector_store %arg15[%swap3A_333, %swap3A_334], %mul3A_332 {strides = array<i32>} : memref<40x128xf32, #tpu.memory_space<vmem>>, vector<16xf32>,
      %get3A_336 = arith.index_cast %add3A_301 : i32 to index
      %get3A_337 = arith.constant 48 : index
      %get3A_338 = tpu.vector_load %arg14[%get3A_336, %get3A_337] {strides = array<i32>} : memref<40x128xf32, #tpu.memory_space<vmem>>, vector<16xf32>,
      %mul3A_339 = arith.mulf %add3A_315, %get3A_338 : vector<16xf32>
      %swap3A_340 = arith.index_cast %add3A_301 : i32 to index
      %swap3A_341 = arith.constant 48 : index
      %swap3A_342 = tpu.vector_load %arg15[%swap3A_340, %swap3A_341] {strides = array<i32>} : memref<40x128xf32, #tpu.memory_space<vmem>>, vector<16xf32>,
      tpu.vector_store %arg15[%swap3A_340, %swap3A_341], %mul3A_339 {strides = array<i32>} : memref<40x128xf32, #tpu.memory_space<vmem>>, vector<16xf32>,
      %get3A_343 = arith.index_cast %add3A_301 : i32 to index
      %get3A_344 = arith.constant 64 : index
      %get3A_345 = tpu.vector_load %arg14[%get3A_343, %get3A_344] {strides = array<i32>} : memref<40x128xf32, #tpu.memory_space<vmem>>, vector<16xf32>,
      %mul3A_346 = arith.mulf %add3A_315, %get3A_345 : vector<16xf32>
      %swap3A_347 = arith.index_cast %add3A_301 : i32 to index
      %swap3A_348 = arith.constant 64 : index
      %swap3A_349 = tpu.vector_load %arg15[%swap3A_347, %swap3A_348] {strides = array<i32>} : memref<40x128xf32, #tpu.memory_space<vmem>>, vector<16xf32>,
      tpu.vector_store %arg15[%swap3A_347, %swap3A_348], %mul3A_346 {strides = array<i32>} : memref<40x128xf32, #tpu.memory_space<vmem>>, vector<16xf32>,
      %get3A_350 = arith.index_cast %add3A_301 : i32 to index
      %get3A_351 = arith.constant 80 : index
      %get3A_352 = tpu.vector_load %arg14[%get3A_350, %get3A_351] {strides = array<i32>} : memref<40x128xf32, #tpu.memory_space<vmem>>, vector<16xf32>,
      %mul3A_353 = arith.mulf %add3A_315, %get3A_352 : vector<16xf32>
      %swap3A_354 = arith.index_cast %add3A_301 : i32 to index
      %swap3A_355 = arith.constant 80 : index
      %swap3A_356 = tpu.vector_load %arg15[%swap3A_354, %swap3A_355] {strides = array<i32>} : memref<40x128xf32, #tpu.memory_space<vmem>>, vector<16xf32>,
      tpu.vector_store %arg15[%swap3A_354, %swap3A_355], %mul3A_353 {strides = array<i32>} : memref<40x128xf32, #tpu.memory_space<vmem>>, vector<16xf32>,
      %get3A_357 = arith.index_cast %add3A_301 : i32 to index
      %get3A_358 = arith.constant 96 : index
      %get3A_359 = tpu.vector_load %arg14[%get3A_357, %get3A_358] {strides = array<i32>} : memref<40x128xf32, #tpu.memory_space<vmem>>, vector<16xf32>,
      %mul3A_360 = arith.mulf %add3A_315, %get3A_359 : vector<16xf32>
      %swap3A_361 = arith.index_cast %add3A_301 : i32 to index
      %swap3A_362 = arith.constant 96 : index
      %swap3A_363 = tpu.vector_load %arg15[%swap3A_361, %swap3A_362] {strides = array<i32>} : memref<40x128xf32, #tpu.memory_space<vmem>>, vector<16xf32>,
      tpu.vector_store %arg15[%swap3A_361, %swap3A_362], %mul3A_360 {strides = array<i32>} : memref<40x128xf32, #tpu.memory_space<vmem>>, vector<16xf32>,
      %get3A_364 = arith.index_cast %add3A_301 : i32 to index
      %get3A_365 = arith.constant 112 : index
      %get3A_366 = tpu.vector_load %arg14[%get3A_364, %get3A_365] {strides = array<i32>} : memref<40x128xf32, #tpu.memory_space<vmem>>, vector<16xf32>,
      %mul3A_367 = arith.mulf %add3A_315, %get3A_366 : vector<16xf32>
      %swap3A_368 = arith.index_cast %add3A_301 : i32 to index
      %swap3A_369 = arith.constant 112 : index
      %swap3A_370 = tpu.vector_load %arg15[%swap3A_368, %swap3A_369] {strides = array<i32>} : memref<40x128xf32, #tpu.memory_space<vmem>>, vector<16xf32>,
      tpu.vector_store %arg15[%swap3A_368, %swap3A_369], %mul3A_367 {strides = array<i32>} : memref<40x128xf32, #tpu.memory_space<vmem>>, vector<16xf32>,
      %dma_start3A_371 = arith.constant 0 : i32
      %dma_start3A_372 = tpu.memref_slice %arg15[%add3A_301, %dma_start3A_371] : memref<40x128xf32, #tpu.memory_space<vmem>> -> memref<1x128xf32, #tpu.memory_space<vmem>>
      %dma_start3A_373 = tpu.memref_squeeze %dma_start3A_372 : memref<1x128xf32, #tpu.memory_space<vmem>> -> memref<128xf32, #tpu.memory_space<vmem>>
      %dma_start3A_374 = arith.constant 0 : i32
      %dma_start3A_375 = tpu.memref_slice %arg13[%add3A_301, %dma_start3A_374] : memref<40x128xi32, #tpu.memory_space<vmem>> -> memref<1x128xi32, #tpu.memory_space<vmem>>
      %dma_start3A_376 = tpu.memref_squeeze %dma_start3A_375 : memref<1x128xi32, #tpu.memory_space<vmem>> -> memref<128xi32, #tpu.memory_space<vmem>>
      %dma_start3A_377 = arith.constant 0 : i32
      %dma_start3A_378 = tpu.memref_slice %arg25[%dma_start3A_377] : memref<4096xf32, #tpu.memory_space<vmem_shared>> -> memref<4096xf32, #tpu.memory_space<vmem_shared>>
      tpu.enqueue_indirect_dma source(%dma_start3A_373 : memref<128xf32, #tpu.memory_space<vmem>>) target(%dma_start3A_378 : memref<4096xf32, #tpu.memory_space<vmem_shared>>) offsets(%dma_start3A_376 : memref<128xi32, #tpu.memory_space<vmem>>) semaphore(%arg27 : memref<!tpu.dma_semaphore, #tpu.memory_space<semaphore_mem>>) {add = true}
      %mul3A_379 = arith.constant 2 : i32
      %mul3A_380 = arith.muli %scan3A_297, %mul3A_379 : i32
      %add3A_381 = arith.constant 1 : i32
      %add3A_382 = arith.addi %mul3A_380, %add3A_381 : i32
      %mul3A_383 = arith.constant 5 : i32
      %mul3A_384 = arith.muli %arg1, %mul3A_383 : i32
      %div3A_385 = arith.constant 8 : i32
      %div3A_386 = arith.divsi %add3A_382, %div3A_385 : i32
      %add3A_387 = arith.addi %mul3A_384, %div3A_386 : i32
      %div3A_388 = arith.constant 16 : i32
      %div3A_389 = arith.divsi %add3A_387, %div3A_388 : i32
      %mul3A_390 = arith.constant 8 : i32
      %mul3A_391 = arith.muli %div3A_389, %mul3A_390 : i32
      %rem3A_392 = arith.constant 8 : i32
      %rem3A_393 = arith.remsi %add3A_382, %rem3A_392 : i32
      %add3A_394 = arith.addi %mul3A_391, %rem3A_393 : i32
      %broadcast_in_dim3A_395 = vector.broadcast %add3A_394 : i32 to vector<16xi32>
      %gather3A_396 = tpu.vector_load_idx %arg11[%broadcast_in_dim3A_395] : memref<40xf32, #tpu.memory_space<vmem>>[vector<16xi32>], vector<16xf32>,
      %add3A_397 = arith.addf %gather3A_396, %gather3A_396 : vector<16xf32>
      %get3A_398 = arith.index_cast %add3A_382 : i32 to index
      %get3A_399 = arith.constant 0 : index
      %get3A_400 = tpu.vector_load %arg14[%get3A_398, %get3A_399] {strides = array<i32>} : memref<40x128xf32, #tpu.memory_space<vmem>>, vector<16xf32>,
      %mul3A_401 = arith.mulf %add3A_397, %get3A_400 : vector<16xf32>
      %swap3A_402 = arith.index_cast %add3A_382 : i32 to index
      %swap3A_403 = arith.constant 0 : index
      %swap3A_404 = tpu.vector_load %arg15[%swap3A_402, %swap3A_403] {strides = array<i32>} : memref<40x128xf32, #tpu.memory_space<vmem>>, vector<16xf32>,
      tpu.vector_store %arg15[%swap3A_402, %swap3A_403], %mul3A_401 {strides = array<i32>} : memref<40x128xf32, #tpu.memory_space<vmem>>, vector<16xf32>,
      %get3A_405 = arith.index_cast %add3A_382 : i32 to index
      %get3A_406 = arith.constant 16 : index
      %get3A_407 = tpu.vector_load %arg14[%get3A_405, %get3A_406] {strides = array<i32>} : memref<40x128xf32, #tpu.memory_space<vmem>>, vector<16xf32>,
      %mul3A_408 = arith.mulf %add3A_397, %get3A_407 : vector<16xf32>
      %swap3A_409 = arith.index_cast %add3A_382 : i32 to index
      %swap3A_410 = arith.constant 16 : index
      %swap3A_411 = tpu.vector_load %arg15[%swap3A_409, %swap3A_410] {strides = array<i32>} : memref<40x128xf32, #tpu.memory_space<vmem>>, vector<16xf32>,
      tpu.vector_store %arg15[%swap3A_409, %swap3A_410], %mul3A_408 {strides = array<i32>} : memref<40x128xf32, #tpu.memory_space<vmem>>, vector<16xf32>,
      %get3A_412 = arith.index_cast %add3A_382 : i32 to index
      %get3A_413 = arith.constant 32 : index
      %get3A_414 = tpu.vector_load %arg14[%get3A_412, %get3A_413] {strides = array<i32>} : memref<40x128xf32, #tpu.memory_space<vmem>>, vector<16xf32>,
      %mul3A_415 = arith.mulf %add3A_397, %get3A_414 : vector<16xf32>
      %swap3A_416 = arith.index_cast %add3A_382 : i32 to index
      %swap3A_417 = arith.constant 32 : index
      %swap3A_418 = tpu.vector_load %arg15[%swap3A_416, %swap3A_417] {strides = array<i32>} : memref<40x128xf32, #tpu.memory_space<vmem>>, vector<16xf32>,
      tpu.vector_store %arg15[%swap3A_416, %swap3A_417], %mul3A_415 {strides = array<i32>} : memref<40x128xf32, #tpu.memory_space<vmem>>, vector<16xf32>,
      %get3A_419 = arith.index_cast %add3A_382 : i32 to index
      %get3A_420 = arith.constant 48 : index
      %get3A_421 = tpu.vector_load %arg14[%get3A_419, %get3A_420] {strides = array<i32>} : memref<40x128xf32, #tpu.memory_space<vmem>>, vector<16xf32>,
      %mul3A_422 = arith.mulf %add3A_397, %get3A_421 : vector<16xf32>
      %swap3A_423 = arith.index_cast %add3A_382 : i32 to index
      %swap3A_424 = arith.constant 48 : index
      %swap3A_425 = tpu.vector_load %arg15[%swap3A_423, %swap3A_424] {strides = array<i32>} : memref<40x128xf32, #tpu.memory_space<vmem>>, vector<16xf32>,
      tpu.vector_store %arg15[%swap3A_423, %swap3A_424], %mul3A_422 {strides = array<i32>} : memref<40x128xf32, #tpu.memory_space<vmem>>, vector<16xf32>,
      %get3A_426 = arith.index_cast %add3A_382 : i32 to index
      %get3A_427 = arith.constant 64 : index
      %get3A_428 = tpu.vector_load %arg14[%get3A_426, %get3A_427] {strides = array<i32>} : memref<40x128xf32, #tpu.memory_space<vmem>>, vector<16xf32>,
      %mul3A_429 = arith.mulf %add3A_397, %get3A_428 : vector<16xf32>
      %swap3A_430 = arith.index_cast %add3A_382 : i32 to index
      %swap3A_431 = arith.constant 64 : index
      %swap3A_432 = tpu.vector_load %arg15[%swap3A_430, %swap3A_431] {strides = array<i32>} : memref<40x128xf32, #tpu.memory_space<vmem>>, vector<16xf32>,
      tpu.vector_store %arg15[%swap3A_430, %swap3A_431], %mul3A_429 {strides = array<i32>} : memref<40x128xf32, #tpu.memory_space<vmem>>, vector<16xf32>,
      %get3A_433 = arith.index_cast %add3A_382 : i32 to index
      %get3A_434 = arith.constant 80 : index
      %get3A_435 = tpu.vector_load %arg14[%get3A_433, %get3A_434] {strides = array<i32>} : memref<40x128xf32, #tpu.memory_space<vmem>>, vector<16xf32>,
      %mul3A_436 = arith.mulf %add3A_397, %get3A_435 : vector<16xf32>
      %swap3A_437 = arith.index_cast %add3A_382 : i32 to index
      %swap3A_438 = arith.constant 80 : index
      %swap3A_439 = tpu.vector_load %arg15[%swap3A_437, %swap3A_438] {strides = array<i32>} : memref<40x128xf32, #tpu.memory_space<vmem>>, vector<16xf32>,
      tpu.vector_store %arg15[%swap3A_437, %swap3A_438], %mul3A_436 {strides = array<i32>} : memref<40x128xf32, #tpu.memory_space<vmem>>, vector<16xf32>,
      %get3A_440 = arith.index_cast %add3A_382 : i32 to index
      %get3A_441 = arith.constant 96 : index
      %get3A_442 = tpu.vector_load %arg14[%get3A_440, %get3A_441] {strides = array<i32>} : memref<40x128xf32, #tpu.memory_space<vmem>>, vector<16xf32>,
      %mul3A_443 = arith.mulf %add3A_397, %get3A_442 : vector<16xf32>
      %swap3A_444 = arith.index_cast %add3A_382 : i32 to index
      %swap3A_445 = arith.constant 96 : index
      %swap3A_446 = tpu.vector_load %arg15[%swap3A_444, %swap3A_445] {strides = array<i32>} : memref<40x128xf32, #tpu.memory_space<vmem>>, vector<16xf32>,
      tpu.vector_store %arg15[%swap3A_444, %swap3A_445], %mul3A_443 {strides = array<i32>} : memref<40x128xf32, #tpu.memory_space<vmem>>, vector<16xf32>,
      %get3A_447 = arith.index_cast %add3A_382 : i32 to index
      %get3A_448 = arith.constant 112 : index
      %get3A_449 = tpu.vector_load %arg14[%get3A_447, %get3A_448] {strides = array<i32>} : memref<40x128xf32, #tpu.memory_space<vmem>>, vector<16xf32>,
      %mul3A_450 = arith.mulf %add3A_397, %get3A_449 : vector<16xf32>
      %swap3A_451 = arith.index_cast %add3A_382 : i32 to index
      %swap3A_452 = arith.constant 112 : index
      %swap3A_453 = tpu.vector_load %arg15[%swap3A_451, %swap3A_452] {strides = array<i32>} : memref<40x128xf32, #tpu.memory_space<vmem>>, vector<16xf32>,
      tpu.vector_store %arg15[%swap3A_451, %swap3A_452], %mul3A_450 {strides = array<i32>} : memref<40x128xf32, #tpu.memory_space<vmem>>, vector<16xf32>,
      %dma_start3A_454 = arith.constant 0 : i32
      %dma_start3A_455 = tpu.memref_slice %arg15[%add3A_382, %dma_start3A_454] : memref<40x128xf32, #tpu.memory_space<vmem>> -> memref<1x128xf32, #tpu.memory_space<vmem>>
      %dma_start3A_456 = tpu.memref_squeeze %dma_start3A_455 : memref<1x128xf32, #tpu.memory_space<vmem>> -> memref<128xf32, #tpu.memory_space<vmem>>
      %dma_start3A_457 = arith.constant 0 : i32
      %dma_start3A_458 = tpu.memref_slice %arg13[%add3A_382, %dma_start3A_457] : memref<40x128xi32, #tpu.memory_space<vmem>> -> memref<1x128xi32, #tpu.memory_space<vmem>>
      %dma_start3A_459 = tpu.memref_squeeze %dma_start3A_458 : memref<1x128xi32, #tpu.memory_space<vmem>> -> memref<128xi32, #tpu.memory_space<vmem>>
      %dma_start3A_460 = arith.constant 0 : i32
      %dma_start3A_461 = tpu.memref_slice %arg25[%dma_start3A_460] : memref<4096xf32, #tpu.memory_space<vmem_shared>> -> memref<4096xf32, #tpu.memory_space<vmem_shared>>
      tpu.enqueue_indirect_dma source(%dma_start3A_456 : memref<128xf32, #tpu.memory_space<vmem>>) target(%dma_start3A_461 : memref<4096xf32, #tpu.memory_space<vmem_shared>>) offsets(%dma_start3A_459 : memref<128xi32, #tpu.memory_space<vmem>>) semaphore(%arg27 : memref<!tpu.dma_semaphore, #tpu.memory_space<semaphore_mem>>) {add = true}
    }
    %scan3A_259 = arith.constant 20 : i32
    %mul3A_260 = arith.constant 32 : i32
    %mul3A_261 = arith.muli %arg1, %mul3A_260 : i32
    %scan3A_262 = arith.constant 0 : i32
    %scan3A_263 = arith.constant 0 : i32
    %scan3A_264 = arith.constant 11 : i32
    %scan3A_265 = arith.addi %scan3A_263, %scan3A_264 : i32
    %scan3A_266 = arith.constant 1 : i32
    scf.for %scan3A_297 = %scan3A_263 to %scan3A_265 step %scan3A_266  : i32 {
      %get3A_298 = arith.index_cast %scan3A_297 : i32 to index
      %get3A_299 = arith.constant 0 : index
      %get3A_300 = tpu.vector_load %arg18[%get3A_298, %get3A_299] {strides = array<i32>} : memref<11x256xi32, #tpu.memory_space<vmem>>, vector<16xi32>,
      %add3A_301 = vector.broadcast %mul3A_261 : i32 to vector<16xi32>
      %add3A_302 = arith.addi %get3A_300, %add3A_301 : vector<16xi32>
      %mul3A_303 = arith.constant 2 : i32
      %mul3A_304 = arith.muli %scan3A_297, %mul3A_303 : i32
      %add3A_305 = arith.constant 0 : i32
      %add3A_306 = arith.addi %mul3A_304, %add3A_305 : i32
      %swap3A = arith.index_cast %add3A_306 : i32 to index
      %swap3A_307 = arith.constant 0 : index
      %swap3A_308 = tpu.vector_load %arg20[%swap3A, %swap3A_307] {strides = array<i32>} : memref<22x128xi32, #tpu.memory_space<vmem>>, vector<16xi32>,
      tpu.vector_store %arg20[%swap3A, %swap3A_307], %add3A_302 {strides = array<i32>} : memref<22x128xi32, #tpu.memory_space<vmem>>, vector<16xi32>,
      %get3A_309 = arith.index_cast %scan3A_297 : i32 to index
      %get3A_310 = arith.constant 16 : index
      %get3A_311 = tpu.vector_load %arg18[%get3A_309, %get3A_310] {strides = array<i32>} : memref<11x256xi32, #tpu.memory_space<vmem>>, vector<16xi32>,
      %add3A_312 = vector.broadcast %mul3A_261 : i32 to vector<16xi32>
      %add3A_313 = arith.addi %get3A_311, %add3A_312 : vector<16xi32>
      %mul3A_314 = arith.constant 2 : i32
      %mul3A_315 = arith.muli %scan3A_297, %mul3A_314 : i32
      %add3A_316 = arith.constant 0 : i32
      %add3A_317 = arith.addi %mul3A_315, %add3A_316 : i32
      %swap3A_318 = arith.index_cast %add3A_317 : i32 to index
      %swap3A_319 = arith.constant 16 : index
      %swap3A_320 = tpu.vector_load %arg20[%swap3A_318, %swap3A_319] {strides = array<i32>} : memref<22x128xi32, #tpu.memory_space<vmem>>, vector<16xi32>,
      tpu.vector_store %arg20[%swap3A_318, %swap3A_319], %add3A_313 {strides = array<i32>} : memref<22x128xi32, #tpu.memory_space<vmem>>, vector<16xi32>,
      %get3A_321 = arith.index_cast %scan3A_297 : i32 to index
      %get3A_322 = arith.constant 32 : index
      %get3A_323 = tpu.vector_load %arg18[%get3A_321, %get3A_322] {strides = array<i32>} : memref<11x256xi32, #tpu.memory_space<vmem>>, vector<16xi32>,
      %add3A_324 = vector.broadcast %mul3A_261 : i32 to vector<16xi32>
      %add3A_325 = arith.addi %get3A_323, %add3A_324 : vector<16xi32>
      %mul3A_326 = arith.constant 2 : i32
      %mul3A_327 = arith.muli %scan3A_297, %mul3A_326 : i32
      %add3A_328 = arith.constant 0 : i32
      %add3A_329 = arith.addi %mul3A_327, %add3A_328 : i32
      %swap3A_330 = arith.index_cast %add3A_329 : i32 to index
      %swap3A_331 = arith.constant 32 : index
      %swap3A_332 = tpu.vector_load %arg20[%swap3A_330, %swap3A_331] {strides = array<i32>} : memref<22x128xi32, #tpu.memory_space<vmem>>, vector<16xi32>,
      tpu.vector_store %arg20[%swap3A_330, %swap3A_331], %add3A_325 {strides = array<i32>} : memref<22x128xi32, #tpu.memory_space<vmem>>, vector<16xi32>,
      %get3A_333 = arith.index_cast %scan3A_297 : i32 to index
      %get3A_334 = arith.constant 48 : index
      %get3A_335 = tpu.vector_load %arg18[%get3A_333, %get3A_334] {strides = array<i32>} : memref<11x256xi32, #tpu.memory_space<vmem>>, vector<16xi32>,
      %add3A_336 = vector.broadcast %mul3A_261 : i32 to vector<16xi32>
      %add3A_337 = arith.addi %get3A_335, %add3A_336 : vector<16xi32>
      %mul3A_338 = arith.constant 2 : i32
      %mul3A_339 = arith.muli %scan3A_297, %mul3A_338 : i32
      %add3A_340 = arith.constant 0 : i32
      %add3A_341 = arith.addi %mul3A_339, %add3A_340 : i32
      %swap3A_342 = arith.index_cast %add3A_341 : i32 to index
      %swap3A_343 = arith.constant 48 : index
      %swap3A_344 = tpu.vector_load %arg20[%swap3A_342, %swap3A_343] {strides = array<i32>} : memref<22x128xi32, #tpu.memory_space<vmem>>, vector<16xi32>,
      tpu.vector_store %arg20[%swap3A_342, %swap3A_343], %add3A_337 {strides = array<i32>} : memref<22x128xi32, #tpu.memory_space<vmem>>, vector<16xi32>,
      %get3A_345 = arith.index_cast %scan3A_297 : i32 to index
      %get3A_346 = arith.constant 64 : index
      %get3A_347 = tpu.vector_load %arg18[%get3A_345, %get3A_346] {strides = array<i32>} : memref<11x256xi32, #tpu.memory_space<vmem>>, vector<16xi32>,
      %add3A_348 = vector.broadcast %mul3A_261 : i32 to vector<16xi32>
      %add3A_349 = arith.addi %get3A_347, %add3A_348 : vector<16xi32>
      %mul3A_350 = arith.constant 2 : i32
      %mul3A_351 = arith.muli %scan3A_297, %mul3A_350 : i32
      %add3A_352 = arith.constant 0 : i32
      %add3A_353 = arith.addi %mul3A_351, %add3A_352 : i32
      %swap3A_354 = arith.index_cast %add3A_353 : i32 to index
      %swap3A_355 = arith.constant 64 : index
      %swap3A_356 = tpu.vector_load %arg20[%swap3A_354, %swap3A_355] {strides = array<i32>} : memref<22x128xi32, #tpu.memory_space<vmem>>, vector<16xi32>,
      tpu.vector_store %arg20[%swap3A_354, %swap3A_355], %add3A_349 {strides = array<i32>} : memref<22x128xi32, #tpu.memory_space<vmem>>, vector<16xi32>,
      %get3A_357 = arith.index_cast %scan3A_297 : i32 to index
      %get3A_358 = arith.constant 80 : index
      %get3A_359 = tpu.vector_load %arg18[%get3A_357, %get3A_358] {strides = array<i32>} : memref<11x256xi32, #tpu.memory_space<vmem>>, vector<16xi32>,
      %add3A_360 = vector.broadcast %mul3A_261 : i32 to vector<16xi32>
      %add3A_361 = arith.addi %get3A_359, %add3A_360 : vector<16xi32>
      %mul3A_362 = arith.constant 2 : i32
      %mul3A_363 = arith.muli %scan3A_297, %mul3A_362 : i32
      %add3A_364 = arith.constant 0 : i32
      %add3A_365 = arith.addi %mul3A_363, %add3A_364 : i32
      %swap3A_366 = arith.index_cast %add3A_365 : i32 to index
      %swap3A_367 = arith.constant 80 : index
      %swap3A_368 = tpu.vector_load %arg20[%swap3A_366, %swap3A_367] {strides = array<i32>} : memref<22x128xi32, #tpu.memory_space<vmem>>, vector<16xi32>,
      tpu.vector_store %arg20[%swap3A_366, %swap3A_367], %add3A_361 {strides = array<i32>} : memref<22x128xi32, #tpu.memory_space<vmem>>, vector<16xi32>,
      %get3A_369 = arith.index_cast %scan3A_297 : i32 to index
      %get3A_370 = arith.constant 96 : index
      %get3A_371 = tpu.vector_load %arg18[%get3A_369, %get3A_370] {strides = array<i32>} : memref<11x256xi32, #tpu.memory_space<vmem>>, vector<16xi32>,
      %add3A_372 = vector.broadcast %mul3A_261 : i32 to vector<16xi32>
      %add3A_373 = arith.addi %get3A_371, %add3A_372 : vector<16xi32>
      %mul3A_374 = arith.constant 2 : i32
      %mul3A_375 = arith.muli %scan3A_297, %mul3A_374 : i32
      %add3A_376 = arith.constant 0 : i32
      %add3A_377 = arith.addi %mul3A_375, %add3A_376 : i32
      %swap3A_378 = arith.index_cast %add3A_377 : i32 to index
      %swap3A_379 = arith.constant 96 : index
      %swap3A_380 = tpu.vector_load %arg20[%swap3A_378, %swap3A_379] {strides = array<i32>} : memref<22x128xi32, #tpu.memory_space<vmem>>, vector<16xi32>,
      tpu.vector_store %arg20[%swap3A_378, %swap3A_379], %add3A_373 {strides = array<i32>} : memref<22x128xi32, #tpu.memory_space<vmem>>, vector<16xi32>,
      %get3A_381 = arith.index_cast %scan3A_297 : i32 to index
      %get3A_382 = arith.constant 112 : index
      %get3A_383 = tpu.vector_load %arg18[%get3A_381, %get3A_382] {strides = array<i32>} : memref<11x256xi32, #tpu.memory_space<vmem>>, vector<16xi32>,
      %add3A_384 = vector.broadcast %mul3A_261 : i32 to vector<16xi32>
      %add3A_385 = arith.addi %get3A_383, %add3A_384 : vector<16xi32>
      %mul3A_386 = arith.constant 2 : i32
      %mul3A_387 = arith.muli %scan3A_297, %mul3A_386 : i32
      %add3A_388 = arith.constant 0 : i32
      %add3A_389 = arith.addi %mul3A_387, %add3A_388 : i32
      %swap3A_390 = arith.index_cast %add3A_389 : i32 to index
      %swap3A_391 = arith.constant 112 : index
      %swap3A_392 = tpu.vector_load %arg20[%swap3A_390, %swap3A_391] {strides = array<i32>} : memref<22x128xi32, #tpu.memory_space<vmem>>, vector<16xi32>,
      tpu.vector_store %arg20[%swap3A_390, %swap3A_391], %add3A_385 {strides = array<i32>} : memref<22x128xi32, #tpu.memory_space<vmem>>, vector<16xi32>,
      %get3A_393 = arith.index_cast %scan3A_297 : i32 to index
      %get3A_394 = arith.constant 128 : index
      %get3A_395 = tpu.vector_load %arg18[%get3A_393, %get3A_394] {strides = array<i32>} : memref<11x256xi32, #tpu.memory_space<vmem>>, vector<16xi32>,
      %add3A_396 = vector.broadcast %mul3A_261 : i32 to vector<16xi32>
      %add3A_397 = arith.addi %get3A_395, %add3A_396 : vector<16xi32>
      %mul3A_398 = arith.constant 2 : i32
      %mul3A_399 = arith.muli %scan3A_297, %mul3A_398 : i32
      %add3A_400 = arith.constant 1 : i32
      %add3A_401 = arith.addi %mul3A_399, %add3A_400 : i32
      %swap3A_402 = arith.index_cast %add3A_401 : i32 to index
      %swap3A_403 = arith.constant 0 : index
      %swap3A_404 = tpu.vector_load %arg20[%swap3A_402, %swap3A_403] {strides = array<i32>} : memref<22x128xi32, #tpu.memory_space<vmem>>, vector<16xi32>,
      tpu.vector_store %arg20[%swap3A_402, %swap3A_403], %add3A_397 {strides = array<i32>} : memref<22x128xi32, #tpu.memory_space<vmem>>, vector<16xi32>,
      %get3A_405 = arith.index_cast %scan3A_297 : i32 to index
      %get3A_406 = arith.constant 144 : index
      %get3A_407 = tpu.vector_load %arg18[%get3A_405, %get3A_406] {strides = array<i32>} : memref<11x256xi32, #tpu.memory_space<vmem>>, vector<16xi32>,
      %add3A_408 = vector.broadcast %mul3A_261 : i32 to vector<16xi32>
      %add3A_409 = arith.addi %get3A_407, %add3A_408 : vector<16xi32>
      %mul3A_410 = arith.constant 2 : i32
      %mul3A_411 = arith.muli %scan3A_297, %mul3A_410 : i32
      %add3A_412 = arith.constant 1 : i32
      %add3A_413 = arith.addi %mul3A_411, %add3A_412 : i32
      %swap3A_414 = arith.index_cast %add3A_413 : i32 to index
      %swap3A_415 = arith.constant 16 : index
      %swap3A_416 = tpu.vector_load %arg20[%swap3A_414, %swap3A_415] {strides = array<i32>} : memref<22x128xi32, #tpu.memory_space<vmem>>, vector<16xi32>,
      tpu.vector_store %arg20[%swap3A_414, %swap3A_415], %add3A_409 {strides = array<i32>} : memref<22x128xi32, #tpu.memory_space<vmem>>, vector<16xi32>,
      %get3A_417 = arith.index_cast %scan3A_297 : i32 to index
      %get3A_418 = arith.constant 160 : index
      %get3A_419 = tpu.vector_load %arg18[%get3A_417, %get3A_418] {strides = array<i32>} : memref<11x256xi32, #tpu.memory_space<vmem>>, vector<16xi32>,
      %add3A_420 = vector.broadcast %mul3A_261 : i32 to vector<16xi32>
      %add3A_421 = arith.addi %get3A_419, %add3A_420 : vector<16xi32>
      %mul3A_422 = arith.constant 2 : i32
      %mul3A_423 = arith.muli %scan3A_297, %mul3A_422 : i32
      %add3A_424 = arith.constant 1 : i32
      %add3A_425 = arith.addi %mul3A_423, %add3A_424 : i32
      %swap3A_426 = arith.index_cast %add3A_425 : i32 to index
      %swap3A_427 = arith.constant 32 : index
      %swap3A_428 = tpu.vector_load %arg20[%swap3A_426, %swap3A_427] {strides = array<i32>} : memref<22x128xi32, #tpu.memory_space<vmem>>, vector<16xi32>,
      tpu.vector_store %arg20[%swap3A_426, %swap3A_427], %add3A_421 {strides = array<i32>} : memref<22x128xi32, #tpu.memory_space<vmem>>, vector<16xi32>,
      %get3A_429 = arith.index_cast %scan3A_297 : i32 to index
      %get3A_430 = arith.constant 176 : index
      %get3A_431 = tpu.vector_load %arg18[%get3A_429, %get3A_430] {strides = array<i32>} : memref<11x256xi32, #tpu.memory_space<vmem>>, vector<16xi32>,
      %add3A_432 = vector.broadcast %mul3A_261 : i32 to vector<16xi32>
      %add3A_433 = arith.addi %get3A_431, %add3A_432 : vector<16xi32>
      %mul3A_434 = arith.constant 2 : i32
      %mul3A_435 = arith.muli %scan3A_297, %mul3A_434 : i32
      %add3A_436 = arith.constant 1 : i32
      %add3A_437 = arith.addi %mul3A_435, %add3A_436 : i32
      %swap3A_438 = arith.index_cast %add3A_437 : i32 to index
      %swap3A_439 = arith.constant 48 : index
      %swap3A_440 = tpu.vector_load %arg20[%swap3A_438, %swap3A_439] {strides = array<i32>} : memref<22x128xi32, #tpu.memory_space<vmem>>, vector<16xi32>,
      tpu.vector_store %arg20[%swap3A_438, %swap3A_439], %add3A_433 {strides = array<i32>} : memref<22x128xi32, #tpu.memory_space<vmem>>, vector<16xi32>,
      %get3A_441 = arith.index_cast %scan3A_297 : i32 to index
      %get3A_442 = arith.constant 192 : index
      %get3A_443 = tpu.vector_load %arg18[%get3A_441, %get3A_442] {strides = array<i32>} : memref<11x256xi32, #tpu.memory_space<vmem>>, vector<16xi32>,
      %add3A_444 = vector.broadcast %mul3A_261 : i32 to vector<16xi32>
      %add3A_445 = arith.addi %get3A_443, %add3A_444 : vector<16xi32>
      %mul3A_446 = arith.constant 2 : i32
      %mul3A_447 = arith.muli %scan3A_297, %mul3A_446 : i32
      %add3A_448 = arith.constant 1 : i32
      %add3A_449 = arith.addi %mul3A_447, %add3A_448 : i32
      %swap3A_450 = arith.index_cast %add3A_449 : i32 to index
      %swap3A_451 = arith.constant 64 : index
      %swap3A_452 = tpu.vector_load %arg20[%swap3A_450, %swap3A_451] {strides = array<i32>} : memref<22x128xi32, #tpu.memory_space<vmem>>, vector<16xi32>,
      tpu.vector_store %arg20[%swap3A_450, %swap3A_451], %add3A_445 {strides = array<i32>} : memref<22x128xi32, #tpu.memory_space<vmem>>, vector<16xi32>,
      %get3A_453 = arith.index_cast %scan3A_297 : i32 to index
      %get3A_454 = arith.constant 208 : index
      %get3A_455 = tpu.vector_load %arg18[%get3A_453, %get3A_454] {strides = array<i32>} : memref<11x256xi32, #tpu.memory_space<vmem>>, vector<16xi32>,
      %add3A_456 = vector.broadcast %mul3A_261 : i32 to vector<16xi32>
      %add3A_457 = arith.addi %get3A_455, %add3A_456 : vector<16xi32>
      %mul3A_458 = arith.constant 2 : i32
      %mul3A_459 = arith.muli %scan3A_297, %mul3A_458 : i32
      %add3A_460 = arith.constant 1 : i32
      %add3A_461 = arith.addi %mul3A_459, %add3A_460 : i32
      %swap3A_462 = arith.index_cast %add3A_461 : i32 to index
      %swap3A_463 = arith.constant 80 : index
      %swap3A_464 = tpu.vector_load %arg20[%swap3A_462, %swap3A_463] {strides = array<i32>} : memref<22x128xi32, #tpu.memory_space<vmem>>, vector<16xi32>,
      tpu.vector_store %arg20[%swap3A_462, %swap3A_463], %add3A_457 {strides = array<i32>} : memref<22x128xi32, #tpu.memory_space<vmem>>, vector<16xi32>,
      %get3A_465 = arith.index_cast %scan3A_297 : i32 to index
      %get3A_466 = arith.constant 224 : index
      %get3A_467 = tpu.vector_load %arg18[%get3A_465, %get3A_466] {strides = array<i32>} : memref<11x256xi32, #tpu.memory_space<vmem>>, vector<16xi32>,
      %add3A_468 = vector.broadcast %mul3A_261 : i32 to vector<16xi32>
      %add3A_469 = arith.addi %get3A_467, %add3A_468 : vector<16xi32>
      %mul3A_470 = arith.constant 2 : i32
      %mul3A_471 = arith.muli %scan3A_297, %mul3A_470 : i32
      %add3A_472 = arith.constant 1 : i32
      %add3A_473 = arith.addi %mul3A_471, %add3A_472 : i32
      %swap3A_474 = arith.index_cast %add3A_473 : i32 to index
      %swap3A_475 = arith.constant 96 : index
      %swap3A_476 = tpu.vector_load %arg20[%swap3A_474, %swap3A_475] {strides = array<i32>} : memref<22x128xi32, #tpu.memory_space<vmem>>, vector<16xi32>,
      tpu.vector_store %arg20[%swap3A_474, %swap3A_475], %add3A_469 {strides = array<i32>} : memref<22x128xi32, #tpu.memory_space<vmem>>, vector<16xi32>,
      %get3A_477 = arith.index_cast %scan3A_297 : i32 to index
      %get3A_478 = arith.constant 240 : index
      %get3A_479 = tpu.vector_load %arg18[%get3A_477, %get3A_478] {strides = array<i32>} : memref<11x256xi32, #tpu.memory_space<vmem>>, vector<16xi32>,
      %add3A_480 = vector.broadcast %mul3A_261 : i32 to vector<16xi32>
      %add3A_481 = arith.addi %get3A_479, %add3A_480 : vector<16xi32>
      %mul3A_482 = arith.constant 2 : i32
      %mul3A_483 = arith.muli %scan3A_297, %mul3A_482 : i32
      %add3A_484 = arith.constant 1 : i32
      %add3A_485 = arith.addi %mul3A_483, %add3A_484 : i32
      %swap3A_486 = arith.index_cast %add3A_485 : i32 to index
      %swap3A_487 = arith.constant 112 : index
      %swap3A_488 = tpu.vector_load %arg20[%swap3A_486, %swap3A_487] {strides = array<i32>} : memref<22x128xi32, #tpu.memory_space<vmem>>, vector<16xi32>,
      tpu.vector_store %arg20[%swap3A_486, %swap3A_487], %add3A_481 {strides = array<i32>} : memref<22x128xi32, #tpu.memory_space<vmem>>, vector<16xi32>,
    }
    %scan3A_267 = arith.constant 11 : i32
    %dma_wait3A_268 = arith.constant 0 : i32
    %dma_wait3A_269 = arith.constant 0 : i32
    %dma_wait3A_270 = tpu.memref_slice %arg5[%dma_wait3A_268, %dma_wait3A_269] : memref<40x2048xf32, #tpu.memory_space<hbm>> -> memref<40x128xf32, #tpu.memory_space<hbm>>
    %dma_wait3A_271 = arith.constant 0 : i32
    %dma_wait3A_272 = arith.constant 0 : i32
    %dma_wait3A_273 = tpu.memref_slice %arg5[%dma_wait3A_271, %dma_wait3A_272] : memref<40x2048xf32, #tpu.memory_space<hbm>> -> memref<40x128xf32, #tpu.memory_space<hbm>>
    tpu.wait_dma2 semaphore(%arg27 : memref<!tpu.dma_semaphore, #tpu.memory_space<semaphore_mem>>) src(%dma_wait3A_273 : memref<40x128xf32, #tpu.memory_space<hbm>>) dst(%arg15 : memref<40x128xf32, #tpu.memory_space<vmem>>)
    %barrier3A_274 = arith.constant 0 : index
    tpu.barrier barrier_id(%barrier3A_274)
    %mul3A_275 = arith.constant 256 : i32
    %mul3A_276 = arith.muli %arg1, %mul3A_275 : i32
    "tpu.region"() ({
      %run_scoped3A = tpu.sem_alloc : memref<!tpu.dma_semaphore, #tpu.memory_space<semaphore_mem>>
      %dma_start3A_297 = tpu.memref_slice %arg25[%mul3A_276] : memref<4096xf32, #tpu.memory_space<vmem_shared>> -> memref<256xf32, #tpu.memory_space<vmem_shared>>
      %dma_start3A_298 = tpu.memref_slice %arg25[%mul3A_276] : memref<4096xf32, #tpu.memory_space<vmem_shared>> -> memref<256xf32, #tpu.memory_space<vmem_shared>>
      tpu.enqueue_dma source(%dma_start3A_298 : memref<256xf32, #tpu.memory_space<vmem_shared>>) target(%arg16 : memref<256xf32, #tpu.memory_space<vmem>>) target_semaphore(%run_scoped3A : memref<!tpu.dma_semaphore, #tpu.memory_space<semaphore_mem>>)
      %dma_wait3A_299 = tpu.memref_slice %arg25[%mul3A_276] : memref<4096xf32, #tpu.memory_space<vmem_shared>> -> memref<256xf32, #tpu.memory_space<vmem_shared>>
      %dma_wait3A_300 = tpu.memref_slice %arg25[%mul3A_276] : memref<4096xf32, #tpu.memory_space<vmem_shared>> -> memref<256xf32, #tpu.memory_space<vmem_shared>>
      tpu.wait_dma2 semaphore(%run_scoped3A : memref<!tpu.dma_semaphore, #tpu.memory_space<semaphore_mem>>) src(%dma_wait3A_300 : memref<256xf32, #tpu.memory_space<vmem_shared>>) dst(%arg16 : memref<256xf32, #tpu.memory_space<vmem>>)
      tpu.yield
    }) : () -> ()
    %get3A = arith.constant 0 : index
    %get3A_277 = tpu.vector_load %arg12[%get3A] {strides = array<i32>} : memref<16xi32, #tpu.memory_space<vmem>>, vector<16xi32>,
    %ge3A = arith.constant 1 : i32
    %ge3A_278 = vector.broadcast %ge3A : i32 to vector<16xi32>
    %ge3A_279 = arith.cmpi sge, %get3A_277, %ge3A_278 : vector<16xi32>
    %broadcast_in_dim3A_280 = arith.constant 1.000000e+00 : f32
    %broadcast_in_dim3A_281 = vector.broadcast %broadcast_in_dim3A_280 : f32 to vector<16xf32>
    %select_n3A = arith.select %ge3A_279, %broadcast_in_dim3A_281, %broadcast_in_dim3A_1 : vector<16xi1>, vector<16xf32>
    %scan3A_282 = arith.constant 0 : i32
    %scan3A_283 = arith.constant 0 : i32
    %scan3A_284 = arith.constant 16 : i32
    %scan3A_285 = arith.addi %scan3A_283, %scan3A_284 : i32
    %scan3A_286 = arith.constant 1 : i32
    scf.for %scan3A_297 = %scan3A_283 to %scan3A_285 step %scan3A_286  : i32 {
      %mul3A_298 = arith.constant 16 : i32
      %mul3A_299 = arith.muli %scan3A_297, %mul3A_298 : i32
      %get3A_300 = arith.index_cast %mul3A_299 : i32 to index
      %get3A_301 = tpu.vector_load %arg16[%get3A_300] {strides = array<i32>} : memref<256xf32, #tpu.memory_space<vmem>>, vector<16xf32>,
      %mul3A_302 = vector.broadcast %exp3A_0 : f32 to vector<16xf32>
      %mul3A_303 = arith.mulf %get3A_301, %mul3A_302 : vector<16xf32>
      %ge3A_304 = arith.constant 3.000000e-01 : f32
      %ge3A_305 = vector.broadcast %ge3A_304 : f32 to vector<16xf32>
      %ge3A_306 = arith.cmpf oge, %mul3A_303, %ge3A_305 : vector<16xf32>
      %select_n3A_307 = arith.select %ge3A_306, %select_n3A, %broadcast_in_dim3A_1 : vector<16xi1>, vector<16xf32>
      %mul3A_308 = arith.constant 16 : i32
      %mul3A_309 = arith.muli %scan3A_297, %mul3A_308 : i32
      %swap3A = arith.index_cast %mul3A_309 : i32 to index
      %swap3A_310 = tpu.vector_load %arg17[%swap3A] {strides = array<i32>} : memref<256xf32, #tpu.memory_space<vmem>>, vector<16xf32>,
      tpu.vector_store %arg17[%swap3A], %select_n3A_307 {strides = array<i32>} : memref<256xf32, #tpu.memory_space<vmem>>, vector<16xf32>,
    }
    %scan3A_287 = arith.constant 16 : i32
    %scan3A_288 = arith.constant 0 : i32
    %scan3A_289 = arith.constant 0 : i32
    %scan3A_290 = arith.constant 11 : i32
    %scan3A_291 = arith.addi %scan3A_289, %scan3A_290 : i32
    %scan3A_292 = arith.constant 1 : i32
    scf.for %scan3A_297 = %scan3A_289 to %scan3A_291 step %scan3A_292  : i32 {
      %get3A_298 = arith.constant 0 : index
      %get3A_299 = tpu.vector_load %arg17[%get3A_298] {strides = array<i32>} : memref<256xf32, #tpu.memory_space<vmem>>, vector<16xf32>,
      %get3A_300 = arith.index_cast %scan3A_297 : i32 to index
      %get3A_301 = arith.constant 0 : index
      %get3A_302 = tpu.vector_load %arg19[%get3A_300, %get3A_301] {strides = array<i32>} : memref<11x256xf32, #tpu.memory_space<vmem>>, vector<16xf32>,
      %mul3A_303 = arith.mulf %get3A_299, %get3A_302 : vector<16xf32>
      %mul3A_304 = arith.constant 256 : i32
      %mul3A_305 = arith.muli %scan3A_297, %mul3A_304 : i32
      %add3A_306 = arith.constant 0 : i32
      %add3A_307 = arith.addi %mul3A_305, %add3A_306 : i32
      %swap3A = arith.index_cast %add3A_307 : i32 to index
      %swap3A_308 = tpu.vector_load %arg21[%swap3A] {strides = array<i32>} : memref<2816xf32, #tpu.memory_space<vmem>>, vector<16xf32>,
      tpu.vector_store %arg21[%swap3A], %mul3A_303 {strides = array<i32>} : memref<2816xf32, #tpu.memory_space<vmem>>, vector<16xf32>,
      %get3A_309 = arith.constant 16 : index
      %get3A_310 = tpu.vector_load %arg17[%get3A_309] {strides = array<i32>} : memref<256xf32, #tpu.memory_space<vmem>>, vector<16xf32>,
      %get3A_311 = arith.index_cast %scan3A_297 : i32 to index
      %get3A_312 = arith.constant 16 : index
      %get3A_313 = tpu.vector_load %arg19[%get3A_311, %get3A_312] {strides = array<i32>} : memref<11x256xf32, #tpu.memory_space<vmem>>, vector<16xf32>,
      %mul3A_314 = arith.mulf %get3A_310, %get3A_313 : vector<16xf32>
      %mul3A_315 = arith.constant 256 : i32
      %mul3A_316 = arith.muli %scan3A_297, %mul3A_315 : i32
      %add3A_317 = arith.constant 16 : i32
      %add3A_318 = arith.addi %mul3A_316, %add3A_317 : i32
      %swap3A_319 = arith.index_cast %add3A_318 : i32 to index
      %swap3A_320 = tpu.vector_load %arg21[%swap3A_319] {strides = array<i32>} : memref<2816xf32, #tpu.memory_space<vmem>>, vector<16xf32>,
      tpu.vector_store %arg21[%swap3A_319], %mul3A_314 {strides = array<i32>} : memref<2816xf32, #tpu.memory_space<vmem>>, vector<16xf32>,
      %get3A_321 = arith.constant 32 : index
      %get3A_322 = tpu.vector_load %arg17[%get3A_321] {strides = array<i32>} : memref<256xf32, #tpu.memory_space<vmem>>, vector<16xf32>,
      %get3A_323 = arith.index_cast %scan3A_297 : i32 to index
      %get3A_324 = arith.constant 32 : index
      %get3A_325 = tpu.vector_load %arg19[%get3A_323, %get3A_324] {strides = array<i32>} : memref<11x256xf32, #tpu.memory_space<vmem>>, vector<16xf32>,
      %mul3A_326 = arith.mulf %get3A_322, %get3A_325 : vector<16xf32>
      %mul3A_327 = arith.constant 256 : i32
      %mul3A_328 = arith.muli %scan3A_297, %mul3A_327 : i32
      %add3A_329 = arith.constant 32 : i32
      %add3A_330 = arith.addi %mul3A_328, %add3A_329 : i32
      %swap3A_331 = arith.index_cast %add3A_330 : i32 to index
      %swap3A_332 = tpu.vector_load %arg21[%swap3A_331] {strides = array<i32>} : memref<2816xf32, #tpu.memory_space<vmem>>, vector<16xf32>,
      tpu.vector_store %arg21[%swap3A_331], %mul3A_326 {strides = array<i32>} : memref<2816xf32, #tpu.memory_space<vmem>>, vector<16xf32>,
      %get3A_333 = arith.constant 48 : index
      %get3A_334 = tpu.vector_load %arg17[%get3A_333] {strides = array<i32>} : memref<256xf32, #tpu.memory_space<vmem>>, vector<16xf32>,
      %get3A_335 = arith.index_cast %scan3A_297 : i32 to index
      %get3A_336 = arith.constant 48 : index
      %get3A_337 = tpu.vector_load %arg19[%get3A_335, %get3A_336] {strides = array<i32>} : memref<11x256xf32, #tpu.memory_space<vmem>>, vector<16xf32>,
      %mul3A_338 = arith.mulf %get3A_334, %get3A_337 : vector<16xf32>
      %mul3A_339 = arith.constant 256 : i32
      %mul3A_340 = arith.muli %scan3A_297, %mul3A_339 : i32
      %add3A_341 = arith.constant 48 : i32
      %add3A_342 = arith.addi %mul3A_340, %add3A_341 : i32
      %swap3A_343 = arith.index_cast %add3A_342 : i32 to index
      %swap3A_344 = tpu.vector_load %arg21[%swap3A_343] {strides = array<i32>} : memref<2816xf32, #tpu.memory_space<vmem>>, vector<16xf32>,
      tpu.vector_store %arg21[%swap3A_343], %mul3A_338 {strides = array<i32>} : memref<2816xf32, #tpu.memory_space<vmem>>, vector<16xf32>,
      %get3A_345 = arith.constant 64 : index
      %get3A_346 = tpu.vector_load %arg17[%get3A_345] {strides = array<i32>} : memref<256xf32, #tpu.memory_space<vmem>>, vector<16xf32>,
      %get3A_347 = arith.index_cast %scan3A_297 : i32 to index
      %get3A_348 = arith.constant 64 : index
      %get3A_349 = tpu.vector_load %arg19[%get3A_347, %get3A_348] {strides = array<i32>} : memref<11x256xf32, #tpu.memory_space<vmem>>, vector<16xf32>,
      %mul3A_350 = arith.mulf %get3A_346, %get3A_349 : vector<16xf32>
      %mul3A_351 = arith.constant 256 : i32
      %mul3A_352 = arith.muli %scan3A_297, %mul3A_351 : i32
      %add3A_353 = arith.constant 64 : i32
      %add3A_354 = arith.addi %mul3A_352, %add3A_353 : i32
      %swap3A_355 = arith.index_cast %add3A_354 : i32 to index
      %swap3A_356 = tpu.vector_load %arg21[%swap3A_355] {strides = array<i32>} : memref<2816xf32, #tpu.memory_space<vmem>>, vector<16xf32>,
      tpu.vector_store %arg21[%swap3A_355], %mul3A_350 {strides = array<i32>} : memref<2816xf32, #tpu.memory_space<vmem>>, vector<16xf32>,
      %get3A_357 = arith.constant 80 : index
      %get3A_358 = tpu.vector_load %arg17[%get3A_357] {strides = array<i32>} : memref<256xf32, #tpu.memory_space<vmem>>, vector<16xf32>,
      %get3A_359 = arith.index_cast %scan3A_297 : i32 to index
      %get3A_360 = arith.constant 80 : index
      %get3A_361 = tpu.vector_load %arg19[%get3A_359, %get3A_360] {strides = array<i32>} : memref<11x256xf32, #tpu.memory_space<vmem>>, vector<16xf32>,
      %mul3A_362 = arith.mulf %get3A_358, %get3A_361 : vector<16xf32>
      %mul3A_363 = arith.constant 256 : i32
      %mul3A_364 = arith.muli %scan3A_297, %mul3A_363 : i32
      %add3A_365 = arith.constant 80 : i32
      %add3A_366 = arith.addi %mul3A_364, %add3A_365 : i32
      %swap3A_367 = arith.index_cast %add3A_366 : i32 to index
      %swap3A_368 = tpu.vector_load %arg21[%swap3A_367] {strides = array<i32>} : memref<2816xf32, #tpu.memory_space<vmem>>, vector<16xf32>,
      tpu.vector_store %arg21[%swap3A_367], %mul3A_362 {strides = array<i32>} : memref<2816xf32, #tpu.memory_space<vmem>>, vector<16xf32>,
      %get3A_369 = arith.constant 96 : index
      %get3A_370 = tpu.vector_load %arg17[%get3A_369] {strides = array<i32>} : memref<256xf32, #tpu.memory_space<vmem>>, vector<16xf32>,
      %get3A_371 = arith.index_cast %scan3A_297 : i32 to index
      %get3A_372 = arith.constant 96 : index
      %get3A_373 = tpu.vector_load %arg19[%get3A_371, %get3A_372] {strides = array<i32>} : memref<11x256xf32, #tpu.memory_space<vmem>>, vector<16xf32>,
      %mul3A_374 = arith.mulf %get3A_370, %get3A_373 : vector<16xf32>
      %mul3A_375 = arith.constant 256 : i32
      %mul3A_376 = arith.muli %scan3A_297, %mul3A_375 : i32
      %add3A_377 = arith.constant 96 : i32
      %add3A_378 = arith.addi %mul3A_376, %add3A_377 : i32
      %swap3A_379 = arith.index_cast %add3A_378 : i32 to index
      %swap3A_380 = tpu.vector_load %arg21[%swap3A_379] {strides = array<i32>} : memref<2816xf32, #tpu.memory_space<vmem>>, vector<16xf32>,
      tpu.vector_store %arg21[%swap3A_379], %mul3A_374 {strides = array<i32>} : memref<2816xf32, #tpu.memory_space<vmem>>, vector<16xf32>,
      %get3A_381 = arith.constant 112 : index
      %get3A_382 = tpu.vector_load %arg17[%get3A_381] {strides = array<i32>} : memref<256xf32, #tpu.memory_space<vmem>>, vector<16xf32>,
      %get3A_383 = arith.index_cast %scan3A_297 : i32 to index
      %get3A_384 = arith.constant 112 : index
      %get3A_385 = tpu.vector_load %arg19[%get3A_383, %get3A_384] {strides = array<i32>} : memref<11x256xf32, #tpu.memory_space<vmem>>, vector<16xf32>,
      %mul3A_386 = arith.mulf %get3A_382, %get3A_385 : vector<16xf32>
      %mul3A_387 = arith.constant 256 : i32
      %mul3A_388 = arith.muli %scan3A_297, %mul3A_387 : i32
      %add3A_389 = arith.constant 112 : i32
      %add3A_390 = arith.addi %mul3A_388, %add3A_389 : i32
      %swap3A_391 = arith.index_cast %add3A_390 : i32 to index
      %swap3A_392 = tpu.vector_load %arg21[%swap3A_391] {strides = array<i32>} : memref<2816xf32, #tpu.memory_space<vmem>>, vector<16xf32>,
      tpu.vector_store %arg21[%swap3A_391], %mul3A_386 {strides = array<i32>} : memref<2816xf32, #tpu.memory_space<vmem>>, vector<16xf32>,
      %mul3A_393 = arith.constant 2 : i32
      %mul3A_394 = arith.muli %scan3A_297, %mul3A_393 : i32
      %add3A_395 = arith.constant 0 : i32
      %add3A_396 = arith.addi %mul3A_394, %add3A_395 : i32
      %mul3A_397 = arith.constant 128 : i32
      %mul3A_398 = arith.muli %add3A_396, %mul3A_397 : i32
      %dma_start3A_399 = tpu.memref_slice %arg21[%mul3A_398] : memref<2816xf32, #tpu.memory_space<vmem>> -> memref<128xf32, #tpu.memory_space<vmem>>
      %dma_start3A_400 = arith.constant 0 : i32
      %dma_start3A_401 = tpu.memref_slice %arg20[%add3A_396, %dma_start3A_400] : memref<22x128xi32, #tpu.memory_space<vmem>> -> memref<1x128xi32, #tpu.memory_space<vmem>>
      %dma_start3A_402 = tpu.memref_squeeze %dma_start3A_401 : memref<1x128xi32, #tpu.memory_space<vmem>> -> memref<128xi32, #tpu.memory_space<vmem>>
      %dma_start3A_403 = arith.constant 0 : i32
      %dma_start3A_404 = tpu.memref_slice %arg26[%dma_start3A_403] : memref<512xf32, #tpu.memory_space<vmem_shared>> -> memref<512xf32, #tpu.memory_space<vmem_shared>>
      tpu.enqueue_indirect_dma source(%dma_start3A_399 : memref<128xf32, #tpu.memory_space<vmem>>) target(%dma_start3A_404 : memref<512xf32, #tpu.memory_space<vmem_shared>>) offsets(%dma_start3A_402 : memref<128xi32, #tpu.memory_space<vmem>>) semaphore(%arg27 : memref<!tpu.dma_semaphore, #tpu.memory_space<semaphore_mem>>) {add = true}
      %get3A_405 = arith.constant 128 : index
      %get3A_406 = tpu.vector_load %arg17[%get3A_405] {strides = array<i32>} : memref<256xf32, #tpu.memory_space<vmem>>, vector<16xf32>,
      %get3A_407 = arith.index_cast %scan3A_297 : i32 to index
      %get3A_408 = arith.constant 128 : index
      %get3A_409 = tpu.vector_load %arg19[%get3A_407, %get3A_408] {strides = array<i32>} : memref<11x256xf32, #tpu.memory_space<vmem>>, vector<16xf32>,
      %mul3A_410 = arith.mulf %get3A_406, %get3A_409 : vector<16xf32>
      %mul3A_411 = arith.constant 256 : i32
      %mul3A_412 = arith.muli %scan3A_297, %mul3A_411 : i32
      %add3A_413 = arith.constant 128 : i32
      %add3A_414 = arith.addi %mul3A_412, %add3A_413 : i32
      %swap3A_415 = arith.index_cast %add3A_414 : i32 to index
      %swap3A_416 = tpu.vector_load %arg21[%swap3A_415] {strides = array<i32>} : memref<2816xf32, #tpu.memory_space<vmem>>, vector<16xf32>,
      tpu.vector_store %arg21[%swap3A_415], %mul3A_410 {strides = array<i32>} : memref<2816xf32, #tpu.memory_space<vmem>>, vector<16xf32>,
      %get3A_417 = arith.constant 144 : index
      %get3A_418 = tpu.vector_load %arg17[%get3A_417] {strides = array<i32>} : memref<256xf32, #tpu.memory_space<vmem>>, vector<16xf32>,
      %get3A_419 = arith.index_cast %scan3A_297 : i32 to index
      %get3A_420 = arith.constant 144 : index
      %get3A_421 = tpu.vector_load %arg19[%get3A_419, %get3A_420] {strides = array<i32>} : memref<11x256xf32, #tpu.memory_space<vmem>>, vector<16xf32>,
      %mul3A_422 = arith.mulf %get3A_418, %get3A_421 : vector<16xf32>
      %mul3A_423 = arith.constant 256 : i32
      %mul3A_424 = arith.muli %scan3A_297, %mul3A_423 : i32
      %add3A_425 = arith.constant 144 : i32
      %add3A_426 = arith.addi %mul3A_424, %add3A_425 : i32
      %swap3A_427 = arith.index_cast %add3A_426 : i32 to index
      %swap3A_428 = tpu.vector_load %arg21[%swap3A_427] {strides = array<i32>} : memref<2816xf32, #tpu.memory_space<vmem>>, vector<16xf32>,
      tpu.vector_store %arg21[%swap3A_427], %mul3A_422 {strides = array<i32>} : memref<2816xf32, #tpu.memory_space<vmem>>, vector<16xf32>,
      %get3A_429 = arith.constant 160 : index
      %get3A_430 = tpu.vector_load %arg17[%get3A_429] {strides = array<i32>} : memref<256xf32, #tpu.memory_space<vmem>>, vector<16xf32>,
      %get3A_431 = arith.index_cast %scan3A_297 : i32 to index
      %get3A_432 = arith.constant 160 : index
      %get3A_433 = tpu.vector_load %arg19[%get3A_431, %get3A_432] {strides = array<i32>} : memref<11x256xf32, #tpu.memory_space<vmem>>, vector<16xf32>,
      %mul3A_434 = arith.mulf %get3A_430, %get3A_433 : vector<16xf32>
      %mul3A_435 = arith.constant 256 : i32
      %mul3A_436 = arith.muli %scan3A_297, %mul3A_435 : i32
      %add3A_437 = arith.constant 160 : i32
      %add3A_438 = arith.addi %mul3A_436, %add3A_437 : i32
      %swap3A_439 = arith.index_cast %add3A_438 : i32 to index
      %swap3A_440 = tpu.vector_load %arg21[%swap3A_439] {strides = array<i32>} : memref<2816xf32, #tpu.memory_space<vmem>>, vector<16xf32>,
      tpu.vector_store %arg21[%swap3A_439], %mul3A_434 {strides = array<i32>} : memref<2816xf32, #tpu.memory_space<vmem>>, vector<16xf32>,
      %get3A_441 = arith.constant 176 : index
      %get3A_442 = tpu.vector_load %arg17[%get3A_441] {strides = array<i32>} : memref<256xf32, #tpu.memory_space<vmem>>, vector<16xf32>,
      %get3A_443 = arith.index_cast %scan3A_297 : i32 to index
      %get3A_444 = arith.constant 176 : index
      %get3A_445 = tpu.vector_load %arg19[%get3A_443, %get3A_444] {strides = array<i32>} : memref<11x256xf32, #tpu.memory_space<vmem>>, vector<16xf32>,
      %mul3A_446 = arith.mulf %get3A_442, %get3A_445 : vector<16xf32>
      %mul3A_447 = arith.constant 256 : i32
      %mul3A_448 = arith.muli %scan3A_297, %mul3A_447 : i32
      %add3A_449 = arith.constant 176 : i32
      %add3A_450 = arith.addi %mul3A_448, %add3A_449 : i32
      %swap3A_451 = arith.index_cast %add3A_450 : i32 to index
      %swap3A_452 = tpu.vector_load %arg21[%swap3A_451] {strides = array<i32>} : memref<2816xf32, #tpu.memory_space<vmem>>, vector<16xf32>,
      tpu.vector_store %arg21[%swap3A_451], %mul3A_446 {strides = array<i32>} : memref<2816xf32, #tpu.memory_space<vmem>>, vector<16xf32>,
      %get3A_453 = arith.constant 192 : index
      %get3A_454 = tpu.vector_load %arg17[%get3A_453] {strides = array<i32>} : memref<256xf32, #tpu.memory_space<vmem>>, vector<16xf32>,
      %get3A_455 = arith.index_cast %scan3A_297 : i32 to index
      %get3A_456 = arith.constant 192 : index
      %get3A_457 = tpu.vector_load %arg19[%get3A_455, %get3A_456] {strides = array<i32>} : memref<11x256xf32, #tpu.memory_space<vmem>>, vector<16xf32>,
      %mul3A_458 = arith.mulf %get3A_454, %get3A_457 : vector<16xf32>
      %mul3A_459 = arith.constant 256 : i32
      %mul3A_460 = arith.muli %scan3A_297, %mul3A_459 : i32
      %add3A_461 = arith.constant 192 : i32
      %add3A_462 = arith.addi %mul3A_460, %add3A_461 : i32
      %swap3A_463 = arith.index_cast %add3A_462 : i32 to index
      %swap3A_464 = tpu.vector_load %arg21[%swap3A_463] {strides = array<i32>} : memref<2816xf32, #tpu.memory_space<vmem>>, vector<16xf32>,
      tpu.vector_store %arg21[%swap3A_463], %mul3A_458 {strides = array<i32>} : memref<2816xf32, #tpu.memory_space<vmem>>, vector<16xf32>,
      %get3A_465 = arith.constant 208 : index
      %get3A_466 = tpu.vector_load %arg17[%get3A_465] {strides = array<i32>} : memref<256xf32, #tpu.memory_space<vmem>>, vector<16xf32>,
      %get3A_467 = arith.index_cast %scan3A_297 : i32 to index
      %get3A_468 = arith.constant 208 : index
      %get3A_469 = tpu.vector_load %arg19[%get3A_467, %get3A_468] {strides = array<i32>} : memref<11x256xf32, #tpu.memory_space<vmem>>, vector<16xf32>,
      %mul3A_470 = arith.mulf %get3A_466, %get3A_469 : vector<16xf32>
      %mul3A_471 = arith.constant 256 : i32
      %mul3A_472 = arith.muli %scan3A_297, %mul3A_471 : i32
      %add3A_473 = arith.constant 208 : i32
      %add3A_474 = arith.addi %mul3A_472, %add3A_473 : i32
      %swap3A_475 = arith.index_cast %add3A_474 : i32 to index
      %swap3A_476 = tpu.vector_load %arg21[%swap3A_475] {strides = array<i32>} : memref<2816xf32, #tpu.memory_space<vmem>>, vector<16xf32>,
      tpu.vector_store %arg21[%swap3A_475], %mul3A_470 {strides = array<i32>} : memref<2816xf32, #tpu.memory_space<vmem>>, vector<16xf32>,
      %get3A_477 = arith.constant 224 : index
      %get3A_478 = tpu.vector_load %arg17[%get3A_477] {strides = array<i32>} : memref<256xf32, #tpu.memory_space<vmem>>, vector<16xf32>,
      %get3A_479 = arith.index_cast %scan3A_297 : i32 to index
      %get3A_480 = arith.constant 224 : index
      %get3A_481 = tpu.vector_load %arg19[%get3A_479, %get3A_480] {strides = array<i32>} : memref<11x256xf32, #tpu.memory_space<vmem>>, vector<16xf32>,
      %mul3A_482 = arith.mulf %get3A_478, %get3A_481 : vector<16xf32>
      %mul3A_483 = arith.constant 256 : i32
      %mul3A_484 = arith.muli %scan3A_297, %mul3A_483 : i32
      %add3A_485 = arith.constant 224 : i32
      %add3A_486 = arith.addi %mul3A_484, %add3A_485 : i32
      %swap3A_487 = arith.index_cast %add3A_486 : i32 to index
      %swap3A_488 = tpu.vector_load %arg21[%swap3A_487] {strides = array<i32>} : memref<2816xf32, #tpu.memory_space<vmem>>, vector<16xf32>,
      tpu.vector_store %arg21[%swap3A_487], %mul3A_482 {strides = array<i32>} : memref<2816xf32, #tpu.memory_space<vmem>>, vector<16xf32>,
      %get3A_489 = arith.constant 240 : index
      %get3A_490 = tpu.vector_load %arg17[%get3A_489] {strides = array<i32>} : memref<256xf32, #tpu.memory_space<vmem>>, vector<16xf32>,
      %get3A_491 = arith.index_cast %scan3A_297 : i32 to index
      %get3A_492 = arith.constant 240 : index
      %get3A_493 = tpu.vector_load %arg19[%get3A_491, %get3A_492] {strides = array<i32>} : memref<11x256xf32, #tpu.memory_space<vmem>>, vector<16xf32>,
      %mul3A_494 = arith.mulf %get3A_490, %get3A_493 : vector<16xf32>
      %mul3A_495 = arith.constant 256 : i32
      %mul3A_496 = arith.muli %scan3A_297, %mul3A_495 : i32
      %add3A_497 = arith.constant 240 : i32
      %add3A_498 = arith.addi %mul3A_496, %add3A_497 : i32
      %swap3A_499 = arith.index_cast %add3A_498 : i32 to index
      %swap3A_500 = tpu.vector_load %arg21[%swap3A_499] {strides = array<i32>} : memref<2816xf32, #tpu.memory_space<vmem>>, vector<16xf32>,
      tpu.vector_store %arg21[%swap3A_499], %mul3A_494 {strides = array<i32>} : memref<2816xf32, #tpu.memory_space<vmem>>, vector<16xf32>,
      %mul3A_501 = arith.constant 2 : i32
      %mul3A_502 = arith.muli %scan3A_297, %mul3A_501 : i32
      %add3A_503 = arith.constant 1 : i32
      %add3A_504 = arith.addi %mul3A_502, %add3A_503 : i32
      %mul3A_505 = arith.constant 128 : i32
      %mul3A_506 = arith.muli %add3A_504, %mul3A_505 : i32
      %dma_start3A_507 = tpu.memref_slice %arg21[%mul3A_506] : memref<2816xf32, #tpu.memory_space<vmem>> -> memref<128xf32, #tpu.memory_space<vmem>>
      %dma_start3A_508 = arith.constant 0 : i32
      %dma_start3A_509 = tpu.memref_slice %arg20[%add3A_504, %dma_start3A_508] : memref<22x128xi32, #tpu.memory_space<vmem>> -> memref<1x128xi32, #tpu.memory_space<vmem>>
      %dma_start3A_510 = tpu.memref_squeeze %dma_start3A_509 : memref<1x128xi32, #tpu.memory_space<vmem>> -> memref<128xi32, #tpu.memory_space<vmem>>
      %dma_start3A_511 = arith.constant 0 : i32
      %dma_start3A_512 = tpu.memref_slice %arg26[%dma_start3A_511] : memref<512xf32, #tpu.memory_space<vmem_shared>> -> memref<512xf32, #tpu.memory_space<vmem_shared>>
      tpu.enqueue_indirect_dma source(%dma_start3A_507 : memref<128xf32, #tpu.memory_space<vmem>>) target(%dma_start3A_512 : memref<512xf32, #tpu.memory_space<vmem_shared>>) offsets(%dma_start3A_510 : memref<128xi32, #tpu.memory_space<vmem>>) semaphore(%arg27 : memref<!tpu.dma_semaphore, #tpu.memory_space<semaphore_mem>>) {add = true}
    }
    %scan3A_293 = arith.constant 11 : i32
    tpu.wait_dma2 semaphore(%arg27 : memref<!tpu.dma_semaphore, #tpu.memory_space<semaphore_mem>>) src(%arg8 : memref<2816xf32, #tpu.memory_space<hbm>>) dst(%arg21 : memref<2816xf32, #tpu.memory_space<vmem>>)
    %barrier3A_294 = arith.constant 0 : index
    tpu.barrier barrier_id(%barrier3A_294)
    %eq3A = arith.constant 0 : i32
    %eq3A_295 = arith.cmpi eq, %arg1, %eq3A : i32
    %convert_element_type3A = arith.extui %eq3A_295 : i1 to i32
    %cond3A = arith.constant 0 : i32
    %cond3A_296 = arith.cmpi ne, %convert_element_type3A, %cond3A : i32
    scf.if %cond3A_296 {
      "tpu.region"() ({
        %run_scoped3A = tpu.sem_alloc : memref<!tpu.dma_semaphore, #tpu.memory_space<semaphore_mem>>
        tpu.enqueue_dma source(%arg26 : memref<512xf32, #tpu.memory_space<vmem_shared>>) target(%arg22 : memref<512xf32, #tpu.memory_space<vmem>>) target_semaphore(%run_scoped3A : memref<!tpu.dma_semaphore, #tpu.memory_space<semaphore_mem>>)
        tpu.wait_dma2 semaphore(%run_scoped3A : memref<!tpu.dma_semaphore, #tpu.memory_space<semaphore_mem>>) src(%arg26 : memref<512xf32, #tpu.memory_space<vmem_shared>>) dst(%arg22 : memref<512xf32, #tpu.memory_space<vmem>>)
        tpu.yield
      }) : () -> ()
      %scan3A_297 = arith.constant 0 : i32
      %scan3A_298 = arith.constant 16 : i32
      %scan3A_299 = arith.addi %scan3A_297, %scan3A_298 : i32
      %scan3A_300 = arith.constant 1 : i32
      %scan3A_301:2 = scf.for %scan3A_342 = %scan3A_297 to %scan3A_299 step %scan3A_300 iter_args(%scan3A_343 = %broadcast_in_dim3A_1, %scan3A_344 = %broadcast_in_dim3A_1) -> (vector<16xf32>, vector<16xf32>)  : i32 {
        %mul3A_345 = arith.constant 32 : i32
        %mul3A_346 = arith.muli %scan3A_342, %mul3A_345 : i32
        %get3A_347 = arith.index_cast %mul3A_346 : i32 to index
        %get3A_348 = tpu.vector_load %arg22[%get3A_347] {strides = array<i32>} : memref<512xf32, #tpu.memory_space<vmem>>, vector<16xf32>,
        %add3A_349 = arith.addf %scan3A_343, %get3A_348 : vector<16xf32>
        %mul3A_350 = arith.constant 32 : i32
        %mul3A_351 = arith.muli %scan3A_342, %mul3A_350 : i32
        %add3A_352 = arith.constant 16 : i32
        %add3A_353 = arith.addi %mul3A_351, %add3A_352 : i32
        %get3A_354 = arith.index_cast %add3A_353 : i32 to index
        %get3A_355 = tpu.vector_load %arg22[%get3A_354] {strides = array<i32>} : memref<512xf32, #tpu.memory_space<vmem>>, vector<16xf32>,
        %add3A_356 = arith.addf %scan3A_344, %get3A_355 : vector<16xf32>
        scf.yield %add3A_349, %add3A_356 : vector<16xf32>, vector<16xf32>
      }
      %scan3A_302 = arith.constant 16 : i32
      %convert_element_type3A_303 = arith.sitofp %get3A_277 : vector<16xi32> to vector<16xf32>
      %ge3A_304 = arith.constant 2 : i32
      %ge3A_305 = vector.broadcast %ge3A_304 : i32 to vector<16xi32>
      %ge3A_306 = arith.cmpi sge, %get3A_277, %ge3A_305 : vector<16xi32>
      %sub3A = arith.constant 1.000000e+00 : f32
      %sub3A_307 = vector.broadcast %sub3A : f32 to vector<16xf32>
      %sub3A_308 = arith.subf %convert_element_type3A_303, %sub3A_307 : vector<16xf32>
      %neg3A = arith.constant 0.000000e+00 : f32
      %neg3A_309 = vector.broadcast %neg3A : f32 to vector<16xf32>
      %neg3A_310 = arith.subf %neg3A_309, %sub3A_308 : vector<16xf32>
      %mul3A_311 = arith.constant 5.000000e-02 : f32
      %mul3A_312 = vector.broadcast %mul3A_311 : f32 to vector<16xf32>
      %mul3A_313 = arith.mulf %neg3A_310, %mul3A_312 : vector<16xf32>
      %exp3A_314 = math.exp %mul3A_313 : vector<16xf32>
      %select_n3A_315 = arith.select %ge3A_306, %exp3A_314, %broadcast_in_dim3A_1 : vector<16xi1>, vector<16xf32>
      %broadcast_in_dim3A_316 = arith.constant 1 : i32
      %broadcast_in_dim3A_317 = vector.broadcast %broadcast_in_dim3A_316 : i32 to vector<16xi32>
      %broadcast_in_dim3A_318 = arith.constant -1 : i32
      %broadcast_in_dim3A_319 = vector.broadcast %broadcast_in_dim3A_318 : i32 to vector<16xi32>
      %mul3A_320 = vector.broadcast %exp3A_0 : f32 to vector<16xf32>
      %mul3A_321 = arith.mulf %scan3A_301#0, %mul3A_320 : vector<16xf32>
      %ge3A_322 = arith.constant 3.000000e-01 : f32
      %ge3A_323 = vector.broadcast %ge3A_322 : f32 to vector<16xf32>
      %ge3A_324 = arith.cmpf oge, %mul3A_321, %ge3A_323 : vector<16xf32>
      %and3A = arith.andi %ge3A_324, %ge3A_306 : vector<16xi1>
      %select_n3A_325 = arith.select %and3A, %broadcast_in_dim3A_317, %broadcast_in_dim3A_319 : vector<16xi1>, vector<16xi32>
      %swap3A = arith.constant 0 : index
      %swap3A_326 = tpu.vector_load %arg23[%swap3A] {strides = array<i32>} : memref<32xi32, #tpu.memory_space<vmem>>, vector<16xi32>,
      tpu.vector_store %arg23[%swap3A], %select_n3A_325 {strides = array<i32>} : memref<32xi32, #tpu.memory_space<vmem>>, vector<16xi32>,
      %mul3A_327 = arith.mulf %scan3A_301#0, %select_n3A_315 : vector<16xf32>
      %swap3A_328 = arith.constant 0 : index
      %swap3A_329 = tpu.vector_load %arg24[%swap3A_328] {strides = array<i32>} : memref<32xf32, #tpu.memory_space<vmem>>, vector<16xf32>,
      tpu.vector_store %arg24[%swap3A_328], %mul3A_327 {strides = array<i32>} : memref<32xf32, #tpu.memory_space<vmem>>, vector<16xf32>,
      %mul3A_330 = vector.broadcast %exp3A_0 : f32 to vector<16xf32>
      %mul3A_331 = arith.mulf %scan3A_301#1, %mul3A_330 : vector<16xf32>
      %ge3A_332 = arith.constant 3.000000e-01 : f32
      %ge3A_333 = vector.broadcast %ge3A_332 : f32 to vector<16xf32>
      %ge3A_334 = arith.cmpf oge, %mul3A_331, %ge3A_333 : vector<16xf32>
      %and3A_335 = arith.andi %ge3A_334, %ge3A_306 : vector<16xi1>
      %select_n3A_336 = arith.select %and3A_335, %broadcast_in_dim3A_317, %broadcast_in_dim3A_319 : vector<16xi1>, vector<16xi32>
      %swap3A_337 = arith.constant 16 : index
      %swap3A_338 = tpu.vector_load %arg23[%swap3A_337] {strides = array<i32>} : memref<32xi32, #tpu.memory_space<vmem>>, vector<16xi32>,
      tpu.vector_store %arg23[%swap3A_337], %select_n3A_336 {strides = array<i32>} : memref<32xi32, #tpu.memory_space<vmem>>, vector<16xi32>,
      %mul3A_339 = arith.mulf %scan3A_301#1, %select_n3A_315 : vector<16xf32>
      %swap3A_340 = arith.constant 16 : index
      %swap3A_341 = tpu.vector_load %arg24[%swap3A_340] {strides = array<i32>} : memref<32xf32, #tpu.memory_space<vmem>>, vector<16xf32>,
      tpu.vector_store %arg24[%swap3A_340], %mul3A_339 {strides = array<i32>} : memref<32xf32, #tpu.memory_space<vmem>>, vector<16xf32>,
      "tpu.region"() ({
        %run_scoped3A = tpu.sem_alloc : memref<!tpu.dma_semaphore, #tpu.memory_space<semaphore_mem>>
        tpu.enqueue_dma source(%arg23 : memref<32xi32, #tpu.memory_space<vmem>>) target(%arg9 : memref<32xi32, #tpu.memory_space<hbm>>) target_semaphore(%run_scoped3A : memref<!tpu.dma_semaphore, #tpu.memory_space<semaphore_mem>>)
        tpu.wait_dma2 semaphore(%run_scoped3A : memref<!tpu.dma_semaphore, #tpu.memory_space<semaphore_mem>>) src(%arg23 : memref<32xi32, #tpu.memory_space<vmem>>) dst(%arg9 : memref<32xi32, #tpu.memory_space<hbm>>)
        tpu.yield
      }) : () -> ()
      "tpu.region"() ({
        %run_scoped3A = tpu.sem_alloc : memref<!tpu.dma_semaphore, #tpu.memory_space<semaphore_mem>>
        tpu.enqueue_dma source(%arg24 : memref<32xf32, #tpu.memory_space<vmem>>) target(%arg10 : memref<32xf32, #tpu.memory_space<hbm>>) target_semaphore(%run_scoped3A : memref<!tpu.dma_semaphore, #tpu.memory_space<semaphore_mem>>)
        tpu.wait_dma2 semaphore(%run_scoped3A : memref<!tpu.dma_semaphore, #tpu.memory_space<semaphore_mem>>) src(%arg24 : memref<32xf32, #tpu.memory_space<vmem>>) dst(%arg10 : memref<32xf32, #tpu.memory_space<hbm>>)
        tpu.yield
      }) : () -> ()
    } else {
    }
    return
  }
}

</mosaic_0001>

<sc_bundles>
// kernel: kernel.3.cloned.1.call-start
scs
__scs_entry_jumppad:
0x0: {  	(pc) =	sbr.rel $0x88, $3  }
0x1: {  	(tag) =	ssettag $0x0;
	lr =	simm.s32 $0x1  }
0x2: {  	[smem:$0x3F9B] =	sst lr;
	_ =	strace $0xD0000000  }
0x3: {  	_ = 	snop  }
0x4: {  	_ = 	snop  }
0x5: {  	_ = 	snop  }
0x6: {  	_ = 	snop  }
0x7: {  	_ = 	snop  }
__scs_overlays_trampoline_lowered:
0x8: {  	[smem:$0x3FAA] =	sst s0  }
0x9: {  	[smem:$0x3FAB] =	sst s1  }
0xa: {  	[smem:$0x3FAC] =	sst s2  }
0xb: {  	[smem:$0x3FAD] =	sst s3  }
0xc: {  	[smem:$0x3FAE] =	sst s4  }
0xd: {  	[smem:$0x3FAF] =	sst s5  }
0xe: {  	[smem:$0x3FB0] =	sst s6  }
0xf: {  	[smem:$0x3FB1] =	sst s7  }
0x10: {  	[smem:$0x3FB2] =	sst s8  }
0x11: {  	[smem:$0x3FB3] =	sst s9;
	s0 =	simm.s32 @!p0 $0x0  }
0x12: {  	s1 =	sld [smem:$0x3F99];
	s0 =	simm.s32 @p0 $0x1  }
0x13: {  	[smem:$0x3FB4] =	sst s0;
	s0 =	simm.s32 @!p1 $0x0  }
0x14: {  	s2 =	sld [smem:$0x3F98];
	s0 =	simm.s32 @p1 $0x1  }
0x15: {  	[smem:$0x3FB5] =	sst s0;
	s0 =	simm.s32 @!p2 $0x0  }
0x16: {  	s3 =	sld [smem:$0x3FDB];
	s0 =	simm.s32 @p2 $0x1  }
0x17: {  	s4 =	simm.s32 $0x1BF5;
	[smem:$0x3FB7] =	sst s0  }
0x18: {  	s0 =	sld [smem:$0x3F9A];
	_ =	swait.ge [sflag:s4], $0x0  }
0x19: {  	s7 =	sld [smem:$0x3F9B]  }
0x1a: {  	s8 =	sadd.s32 $0xFFFFE003, lr  }
0x1b: {  	s9 =	sadd.s32 $0xFFFFFEF7, lr;
	s5 =	simm.s32 $0xFFFFFFFF;
	p2 =	slt.u32 s8, $0xFFFFF086  }
0x1c: {  	p1 =	slt.u32 s9, $0xF7A;
	s5 =	simm.s32 @!p2 $0x0  }
0x1d: {  	s5 =	simm.s32 @p1 $0x1;
	p0 =	seq.s32 s7, s2  }
0x1e: {  	s7 =	smul.u32 @!p0 $0xF7A, s2;
	p2 =	seq.s32 @!p0 s5, $0x0  }
0x1f: {  	s9 =	smul.u32 $0xF7A, s1;
	s8 =	simm.s32 @!p0 $0x1BF5;
	p2 =	por !p2, p0  }
0x20: {  	[sflag:s8] =	ssyncset.s32 @!p0 $0xFFFFF086;
	s6 =	sadd.s32 @!p0 s3, s7;
	s7 =	simm.s32 @!p0 $0x108  }
0x21: {  	s3 =	sadd.s32 s3, s9;
	s6 =	sadd.s32 @!p0 $0x88, s6;
	s7 =	simm.s32 @p2 $0x1082  }
0x22: {  	[simem:s7], [sflag:s8] =	dma.local @!p0 [hbm:s6], $0xF7A  }
0x23: {  	s9 =	sor.u32 $0xD0000000, s2;
	s6 =	simm.s32 $0x108;
	_ =	swait.ge @!p0 [sflag:s8], $0x0  }
0x24: {  	s3 =	sadd.s32 $0x88, s3;
	s6 =	simm.s32 @!p1 $0x1082;
	[sflag:s4] =	ssyncset.s32 $0xFFFFF086  }
0x25: {  	[simem:s6], [sflag:s4] =	dma.local [hbm:s3], $0xF7A  }
0x26: {  	[smem:$0x3F9B] =	sst s1;
	(tag) =	ssettag s2;
	_ =	strace s9  }
0x27: {  	s1 =	sld [smem:$0x3FAB]  }
0x28: {  	s2 =	sld [smem:$0x3FAC]  }
0x29: {  	s4 =	sld [smem:$0x3FAE]  }
0x2a: {  	p0 =	seq.s32 s5, $0x0;
	s5 =	sld [smem:$0x3FAF]  }
0x2b: {  	s6 =	sld [smem:$0x3FB0]  }
0x2c: {  	s7 =	sld [smem:$0x3FB1]  }
0x2d: {  	s3 =	simm.s32 $0x108;
	s8 =	sld [smem:$0x3FB2]  }
0x2e: {  	s3 =	simm.s32 @!p0 $0x1082;
	s9 =	sld [smem:$0x3FB3]  }
0x2f: {  	lr =	sadd.s32 s0, s3;
	s0 =	sld [smem:$0x3FAA]  }
0x30: {  	s3 =	sld [smem:$0x3FAD]  }
0x31: {  	[smem:$0x3FB6] =	sst s10  }
0x32: {  	s10 =	sld [smem:$0x3FB4];
	_ =	sdelay $0x3  }
0x33: {  	p0 =	seq.s32 s10, $0x1;
	s10 =	sld [smem:$0x3FB6];
	_ =	sdelay $0x3  }
0x34: {  	[smem:$0x3FB6] =	sst s10  }
0x35: {  	s10 =	sld [smem:$0x3FB5];
	_ =	sdelay $0x3  }
0x36: {  	p1 =	seq.s32 s10, $0x1;
	s10 =	sld [smem:$0x3FB6];
	_ =	sdelay $0x3  }
0x37: {  	[smem:$0x3FB6] =	sst s10  }
0x38: {  	s10 =	sld [smem:$0x3FB7]  }
0x39: {  	_ = 	snop;
	(pc) =	sbr.ind lr, $3  }
0x3a: {  	_ = 	snop  }
0x3b: {  	_ = 	snop  }
0x3c: {  	p2 =	seq.s32 s10, $0x1;
	s10 =	sld [smem:$0x3FB6]  }
0x3d: {  	_ =	shalt  }
0x3e: {  	_ =	shalt  }
0x3f: {  	_ =	shalt  }
0x40: {  	_ =	shalt  }
0x41: {  	_ =	shalt  }
0x42: {  	_ =	shalt  }
0x43: {  	_ =	shalt  }
0x44: {  	_ =	shalt  }
0x45: {  	_ =	shalt  }
0x46: {  	_ =	shalt  }
0x47: {  	_ =	shalt  }
0x48: {  	_ =	shalt  }
0x49: {  	_ =	shalt  }
0x4a: {  	_ =	shalt  }
0x4b: {  	_ =	shalt  }
0x4c: {  	_ =	shalt  }
0x4d: {  	_ =	shalt  }
0x4e: {  	_ =	shalt  }
0x4f: {  	_ =	shalt  }
0x50: {  	_ =	shalt  }
0x51: {  	_ =	shalt  }
0x52: {  	_ =	shalt  }
0x53: {  	_ =	shalt  }
0x54: {  	_ =	shalt  }
0x55: {  	_ =	shalt  }
0x56: {  	_ =	shalt  }
0x57: {  	_ =	shalt  }
0x58: {  	_ =	shalt  }
0x59: {  	_ =	shalt  }
0x5a: {  	_ =	shalt  }
0x5b: {  	_ =	shalt  }
0x5c: {  	_ =	shalt  }
0x5d: {  	_ =	shalt  }
0x5e: {  	_ =	shalt  }
0x5f: {  	_ =	shalt  }
0x60: {  	_ =	shalt  }
0x61: {  	_ =	shalt  }
0x62: {  	_ =	shalt  }
0x63: {  	_ =	shalt  }
0x64: {  	_ =	shalt  }
0x65: {  	_ =	shalt  }
0x66: {  	_ =	shalt  }
0x67: {  	_ =	shalt  }
0x68: {  	_ =	shalt  }
0x69: {  	_ =	shalt  }
0x6a: {  	_ =	shalt  }
0x6b: {  	_ =	shalt  }
0x6c: {  	_ =	shalt  }
0x6d: {  	_ =	shalt  }
0x6e: {  	_ =	shalt  }
0x6f: {  	_ =	shalt  }
0x70: {  	_ =	shalt  }
0x71: {  	_ =	shalt  }
0x72: {  	_ =	shalt  }
0x73: {  	_ =	shalt  }
0x74: {  	_ =	shalt  }
0x75: {  	_ =	shalt  }
0x76: {  	_ =	shalt  }
0x77: {  	_ =	shalt  }
0x78: {  	_ =	shalt  }
0x79: {  	_ =	shalt  }
0x7a: {  	_ =	shalt  }
0x7b: {  	_ =	shalt  }
0x7c: {  	_ =	shalt  }
0x7d: {  	_ =	shalt  }
0x7e: {  	_ =	shalt  }
0x7f: {  	_ =	shalt  }
0x80: {  	_ =	shalt  }
0x81: {  	_ =	shalt  }
0x82: {  	_ =	shalt  }
0x83: {  	_ =	shalt  }
0x84: {  	_ =	shalt  }
0x85: {  	_ =	shalt  }
0x86: {  	_ =	shalt  }
0x87: {  	_ =	shalt  }
.Lfunc_end0:
.L_simem_size_0:
called_computation_lowered:
.L_overlay_start_0:
0x88: {  	s0 =	sld [smem:$0x3FD9]  }
0x89: {  	s1 =	sld [smem:$0x3FFE];
	_ =	sdelay $0x3  }
0x8a: {  	s0 =	sadd.s32 s1, s0  }
0x8b: {  	[smem:$0x3FC2] =	sst s0  }
0x8c: {  	_ = 	snop  }
0x8d: {  	s0 =	sld [smem:$0x3FC9]  }
0x8e: {  	s13 =	sld [smem:$0x3FC8]  }
0x8f: {  	s2 =	sld [smem:$0x3FD0]  }
0x90: {  	s3 =	sld [smem:$0x3FC7]  }
0x91: {  	s4 =	sld [smem:$0x3FC6]  }
0x92: {  	s6 =	simm.s32 $0xA;
	s7 =	simm.s32 $0x10;
	s5 =	sld [smem:$0x3FC5]  }
0x93: {  	[smem:s7], [sflag:s6] =	dma.local [hbm:s2], $0x1  }
0x94: {  	_ =	swait.eq [sflag:s6], $0x1  }
0x95: {  	[sflag:s6] =	ssyncset.done $0x0  }
0x96: {  	s14 =	sld [smem:$0x10];
	[sflag:s6] =	ssyncadd.s32 $0xFFFFFFFF  }
0x97: {  	s15 =	sld [smem:$0x11];
	(tm) =	ssettm $0x1  }
0x98: {  	s16 =	sld [smem:$0x3FFB];
	_ =	sdelay $0x3  }
0x99: {  	_ =	strace s16  }
0x9a: {  	s7 =	sld [smem:$0x3FFC];
	_ =	sdelay $0x3  }
0x9b: {  	_ =	strace s7  }
0x9c: {  	s7 =	sld [smem:$0x3FFD];
	_ =	sdelay $0x3  }
0x9d: {  	_ =	strace s7  }
0x9e: {  	_ =	strace $0x8FFFFFFF  }
0x9f: {  	s17 =	sld [smem:$0x3FDB];
	_ =	sdelay $0x1  }
0xa0: {  	s8 =	simm.s32 $_scs_section_size  }
0xa1: {  	s9 =	simm.s32 $_size__tile_overlayer_lowered;
	s10 =	simm.s32 $_tile_overlayer_lowered  }
0xa2: {  	s20 =	simm.s32 $0x1BFF;
	s19 =	sshll.u32 s10, $0x1;
	s7 =	sadd.s32 s8, s17  }
0xa3: {  	s11 =	simm.s32 $0x0;
	s18 =	sshll.u32 s9, $0x1;
	s9 =	sadd.s32 s19, s7  }
0xa4: {  	[timem:s11], [sflag:s20] =	dma.local [hbm:s9], s18  }
0xa5: {  	_ =	swait.ge [sflag:s20], s18  }
0xa6: {  	s8 =	ssub.s32 $0x0, s18;
	[sflag:s20] =	ssyncset.done $0x0  }
0xa7: {  	[sflag:s20] =	ssyncadd.s32 s8;
	_ =	sdelay $0x1  }
0xa8: {  	s21 =	simm.s32 $0x1B8B  }
0xa9: {  	_ =	swait.ge [sflag:s21], $0x1  }
0xaa: {  	[sflag:s21] =	ssyncset.done $0x0  }
0xab: {  	s23 =	simm.s32 $0x1B8E;
	s22 =	sld [smem:$0x3FFE];
	[sflag:s21] =	ssyncadd.s32 $0xFFFFFFFF  }
0xac: {  	s24 =	simm.s32 $execute0_lowered;
	[smem:$0x3FD2] =	sst s23  }
0xad: {  	s9 =	sshll.u32 s24, $0x1;
	_ =	strace $0x80000046;
	[dreg:$0x1] =	wrdreg $0xFFFFFFFF  }
0xae: {  	s25 =	simm.s32 $_size_execute0_lowered;
	s7 =	sadd.s32 s7, s9;
	[dreg:$0x0] =	wrdreg $0x0  }
0xaf: {  	s9 =	sshll.u32 s25, $0x1;
	[dreg:$0x2] =	wrdreg s7  }
0xb0: {  	[dreg:$0x3] =	wrdreg s9  }
0xb1: {  	[dreg:$0x4] =	wrdreg $0xC0  }
0xb2: {  	_ =	task [dreg:s11], $0x5FFFF  }
0xb3: {  	[dreg:$0x1] =	wrdreg $0xFFFFFFFF  }
0xb4: {  	[dreg:$0x0] =	wrdreg $0x60  }
0xb5: {  	[dreg:$0x2] =	wrdreg s0  }
0xb6: {  	[dreg:$0x3] =	wrdreg s22  }
0xb7: {  	[dreg:$0x4] =	wrdreg s4  }
0xb8: {  	[dreg:$0x5] =	wrdreg s13  }
0xb9: {  	[dreg:$0x6] =	wrdreg s5  }
0xba: {  	[dreg:$0x7] =	wrdreg s3  }
0xbb: {  	[dreg:$0x8] =	wrdreg s14  }
0xbc: {  	[dreg:$0x9] =	wrdreg s15  }
0xbd: {  	[dreg:$0xa] =	wrdreg $0x79000  }
0xbe: {  	[dreg:$0xb] =	wrdreg $0x7A000  }
0xbf: {  	[dreg:$0xc] =	wrdreg $0x9  }
0xc0: {  	_ =	task.clear_ibuf [dreg:s11], $0xDFFFF;
	_ =	strace $0x90000046  }
0xc1: {  	s26 =	simm.s32 $0x9;
	_ =	strace $0x80000048  }
0xc2: {  	_ =	swait.ge [sflag:s26], $0x1  }
0xc3: {  	[sflag:s26] =	ssyncadd.s32 $0xFFFFFFFF  }
0xc4: {  	_ =	strace $0x90000048  }
0xc5: {  	_ =	sfence  }
0xc6: {  	s28 =	sld [smem:$0x0];
	_ =	sdelay $0x1  }
0xc7: {  	s29 =	srdreg.scid  }
0xc8: {  	s30 =	sshll.u32 s29, $0xD;
	s31 =	sshrl.u32 s29, $0x2  }
0xc9: {  	s1 =	sand.u32 $0x1, s29;
	s2 =	sand.u32 $0x4000, s30;
	s0 =	sadd.s32 s31, s28  }
0xca: {  	s1 =	sor.u32 s2, s1;
	s0 =	sshll.u32 s0, $0x11  }
0xcb: {  	s0 =	sor.u32 s0, s1  }
0xcc: {  	s0 =	sadd.s32 $0x8F2B, s0  }
0xcd: {  	[sflag:s0] =	ssyncadd.remote.s32 $0x1  }
0xce: {  	_ =	sfence.sel $0xFFFF  }
0xcf: {  	[dreg:$0x0] =	wrdreg $0xFFFFFFFF;
	(pc) =	sbr.abs _section_cstart, $3  }
0xd0: {  	[dreg:$0x1] =	wrdreg $0xFFFFFFFF  }
0xd1: {  	_ =	task.clear_ibuf [dreg:s11], $0x2FFFF;
	_ =	strace $0x9FFFFFFF  }
0xd2: {  	(tm) =	ssettm $0x7FFFFFFF  }
0xd3: {  	_ =	shalt  }
tec
execute0_lowered:
.L_overlay_start_1:
0x0: {  	(tag) =	ssettag $0x1  }
0x1: {  	s7 =	rddreg [dreg:$0x0]  }
0x2: {  	s5 =	rddreg [dreg:$0x1]  }
0x3: {  	s9 =	rddreg [dreg:$0x2]  }
0x4: {  	s10 =	rddreg [dreg:$0x3]  }
0x5: {  	s11 =	rddreg [dreg:$0x4]  }
0x6: {  	s12 =	rddreg [dreg:$0x5]  }
0x7: {  	s2 =	rddreg [dreg:$0x6]  }
0x8: {  	s1 =	rddreg [dreg:$0x7]  }
0x9: {  	s6 =	rddreg [dreg:$0x8]  }
0xa: {  	s3 =	rddreg [dreg:$0x9]  }
0xb: {  	s0 =	rddreg [dreg:$0xa];
	s8 =	simm.s32 $0x0  }
0xc: {  	s4 =	stileid.u32;
	[smem:$0x7FF] =	sst s8  }
0xd: {  	s25 =	simm.s32 $0x800;
	s15 =	simm.s32 $0x8000;
	_ =	strace $0x80000047  }
0xe: {  	[tilespmem:s8], [sflag:$0x2] =	stream.linear.gather [hbm4b:s7+s8], $0x80, $0x38;
	[tilespmem:$0x7A20] =	vst v63  }
0xf: {  	s13 =	sadd.s32 $0x800, s5;
	s5 =	sshll.u32 s4, $0x8;
	s7 =	simm.s32 $0x80  }
0x10: {  	[tilespmem:s7], [sflag:$0x2] =	stream.linear.gather [hbm4b:s13+s8], $0x80, $0x38;
	[tilespmem:$0x7A20] =	vst v63  }
0x11: {  	s16 =	simm.s32 $0x3F00;
	s14 =	smul.u32 $0x280, s4;
	s11 =	sadd.s32 s11, s5  }
0x12: {  	[tilespmem:s16], [sflag:$0x2] =	stream.strided.gather [hbm4b:s11+s25], $0x1000, s15, s25, $0x38;
	[tilespmem:$0x7A20] =	vst v63  }
0x13: {  	s29 =	simm.s32 $0x4F00;
	s28 =	smul.u32 $0x1400, s4;
	s26 =	sadd.s32 s12, s5  }
0x14: {  	[tilespmem:s29], [sflag:$0x2] =	stream.strided.gather [hbm4b:s26+s25], $0x1000, s15, s25, $0x38;
	[tilespmem:$0x7A20] =	vst v63  }
0x15: {  	s31 =	simm.s32 $0x100;
	s30 =	sadd.s32 s9, s14;
	s12 =	sshrl.u32 s28, $0x3  }
0x16: {  	[tilespmem:s31], [sflag:$0x2] =	stream.linear.gather [hbm4b:s30+s8], $0x400, $0x38;
	[tilespmem:$0x7A20] =	vst v63  }
0x17: {  	s14 =	sadd.s32 s10, s14;
	s16 =	simm.s32 $0x1500;
	s15 =	sadd.s32 $0x80, s12  }
0x18: {  	[tilespmem:s16], [sflag:$0x2] =	stream.linear.gather [hbm4b:s14+s8], $0x400, $0x38;
	[tilespmem:$0x7A20] =	vst v63  }
0x19: {  	s18 =	simm.s32 $0x500;
	s17 =	sadd.s32 s9, s15  }
0x1a: {  	[tilespmem:s18], [sflag:$0x2] =	stream.linear.gather [hbm4b:s17+s8], $0x400, $0x38;
	[tilespmem:$0x7A20] =	vst v63  }
0x1b: {  	s21 =	simm.s32 $0x1900;
	s20 =	sadd.s32 $0x100, s12;
	s19 =	sadd.s32 s10, s15  }
0x1c: {  	[tilespmem:s21], [sflag:$0x2] =	stream.linear.gather [hbm4b:s19+s8], $0x400, $0x38;
	[tilespmem:$0x7A20] =	vst v63  }
0x1d: {  	s23 =	simm.s32 $0x900;
	s22 =	sadd.s32 s9, s20  }
0x1e: {  	[tilespmem:s23], [sflag:$0x2] =	stream.linear.gather [hbm4b:s22+s8], $0x400, $0x38;
	[tilespmem:$0x7A20] =	vst v63  }
0x1f: {  	s24 =	sadd.s32 s10, s20;
	s25 =	sadd.s32 $0x180, s12;
	s26 =	simm.s32 $0x1D00  }
0x20: {  	[tilespmem:s26], [sflag:$0x2] =	stream.linear.gather [hbm4b:s24+s8], $0x400, $0x38;
	[tilespmem:$0x7A20] =	vst v63  }
0x21: {  	s29 =	simm.s32 $0xD00;
	s28 =	sadd.s32 s9, s25  }
0x22: {  	[tilespmem:s29], [sflag:$0x2] =	stream.linear.gather [hbm4b:s28+s8], $0x400, $0x38;
	[tilespmem:$0x7A20] =	vst v63  }
0x23: {  	s12 =	sadd.s32 $0x200, s12;
	s30 =	sadd.s32 s10, s25;
	s31 =	simm.s32 $0x2100  }
0x24: {  	[tilespmem:s31], [sflag:$0x2] =	stream.linear.gather [hbm4b:s30+s8], $0x400, $0x38;
	[tilespmem:$0x7A20] =	vst v63  }
0x25: {  	s13 =	simm.s32 $0x1100;
	s9 =	sadd.s32 s9, s12  }
0x26: {  	[tilespmem:s13], [sflag:$0x2] =	stream.linear.gather [hbm4b:s9+s8], $0x400, $0x38;
	[tilespmem:$0x7A20] =	vst v63  }
0x27: {  	s15 =	simm.s32 $0x2500;
	s14 =	sadd.s32 s10, s12  }
0x28: {  	v0 =	vimm.f32 $0.0e+00;
	[tilespmem:s15], [sflag:$0x2] =	stream.linear.gather [hbm4b:s14+s8], $0x400, $0x38;
	[tilespmem:$0x7A20] =	vst v63  }
0x29: {  	[tilespmem:$0x3D00] =	vst v0  }
0x2a: {  	[tilespmem:$0x3D10] =	vst v0  }
0x2b: {  	[tilespmem:$0x3D20] =	vst v0  }
0x2c: {  	[tilespmem:$0x3D30] =	vst v0  }
0x2d: {  	[tilespmem:$0x3D40] =	vst v0  }
0x2e: {  	[tilespmem:$0x3D50] =	vst v0  }
0x2f: {  	[tilespmem:$0x3D60] =	vst v0  }
0x30: {  	[tilespmem:$0x3D70] =	vst v0  }
0x31: {  	[tilespmem:$0x3D80] =	vst v0  }
0x32: {  	[tilespmem:$0x3D90] =	vst v0  }
0x33: {  	[tilespmem:$0x3DA0] =	vst v0  }
0x34: {  	[tilespmem:$0x3DB0] =	vst v0  }
0x35: {  	[tilespmem:$0x3DC0] =	vst v0  }
0x36: {  	[tilespmem:$0x3DD0] =	vst v0  }
0x37: {  	[tilespmem:$0x3DE0] =	vst v0  }
0x38: {  	s5 =	sadd.s32 s5, s6;
	s16 =	simm.s32 $0x3D00;
	s17 =	simm.s32 $0x3;
	[tilespmem:$0x3DF0] =	vst v0  }
0x39: {  	[spmem:s5] =	stream.linear.scatter [tilespmem:s16], [sflag:$0x3], $0x100, $0x38;
	[tilespmem:$0x7A20] =	vst v63  }
0x3a: {  	_ =	swait.ge [sflag:s17], $0x100  }
0x3b: {  	s9 =	sshll.u32 s4, $0x5;
	[sflag:s17] =	ssyncset.done $0x0  }
0x3c: {  	s18 =	sadd.s32 s9, s3;
	[sflag:s17] =	ssyncadd.s32 $0xFFFFFF00  }
0x3d: {  	[spmem:s18] =	stream.linear.scatter [tilespmem:s16], [sflag:$0x3], $0x20, $0x38;
	[tilespmem:$0x7A20] =	vst v63  }
0x3e: {  	_ =	swait.ge [sflag:s17], $0x20  }
0x3f: {  	[sflag:s17] =	ssyncset.done $0x0  }
0x40: {  	s19 =	simm.s32 $0x2;
	[sflag:s17] =	ssyncadd.s32 $0xFFFFFFE0  }
0x41: {  	_ =	swait.ge [sflag:s19], $0x80  }
0x42: {  	[sflag:s19] =	ssyncset.done $0x0  }
0x43: {  	[sflag:s19] =	ssyncadd.s32 $0xFFFFFF80  }
0x44: {  	_ =	swait.ge [sflag:s19], $0x80  }
0x45: {  	[sflag:s19] =	ssyncset.done $0x0  }
0x46: {  	[sflag:s19] =	ssyncadd.s32 $0xFFFFFF80  }
0x47: {  	_ =	swait.ge [sflag:s19], $0x1000  }
0x48: {  	[sflag:s19] =	ssyncset.done $0x0  }
0x49: {  	[sflag:s19] =	ssyncadd.s32 $0xFFFFF000  }
0x4a: {  	_ =	swait.ge [sflag:s19], $0x1000  }
0x4b: {  	[sflag:s19] =	ssyncset.done $0x0  }
0x4c: {  	[sflag:s19] =	ssyncadd.s32 $0xFFFFF000  }
0x4d: {  	_ =	swait.ge [sflag:s19], $0x400  }
0x4e: {  	[sflag:s19] =	ssyncset.done $0x0  }
0x4f: {  	[sflag:s19] =	ssyncadd.s32 $0xFFFFFC00  }
0x50: {  	_ =	swait.ge [sflag:s19], $0x400  }
0x51: {  	[sflag:s19] =	ssyncset.done $0x0  }
0x52: {  	[sflag:s19] =	ssyncadd.s32 $0xFFFFFC00  }
0x53: {  	_ =	swait.ge [sflag:s19], $0x400  }
0x54: {  	[sflag:s19] =	ssyncset.done $0x0  }
0x55: {  	[sflag:s19] =	ssyncadd.s32 $0xFFFFFC00  }
0x56: {  	_ =	swait.ge [sflag:s19], $0x400  }
0x57: {  	[sflag:s19] =	ssyncset.done $0x0  }
0x58: {  	[sflag:s19] =	ssyncadd.s32 $0xFFFFFC00  }
0x59: {  	_ =	swait.ge [sflag:s19], $0x400  }
0x5a: {  	[sflag:s19] =	ssyncset.done $0x0  }
0x5b: {  	[sflag:s19] =	ssyncadd.s32 $0xFFFFFC00  }
0x5c: {  	_ =	swait.ge [sflag:s19], $0x400  }
0x5d: {  	[sflag:s19] =	ssyncset.done $0x0  }
0x5e: {  	[sflag:s19] =	ssyncadd.s32 $0xFFFFFC00  }
0x5f: {  	s10 =	smul.u32 $0x5, s4;
	_ =	swait.ge [sflag:s19], $0x400  }
0x60: {  	[sflag:s19] =	ssyncset.done $0x0  }
0x61: {  	s20 =	sadd.s32 $0x0, s10;
	[sflag:s19] =	ssyncadd.s32 $0xFFFFFC00  }
0x62: {  	s12 =	sshrl.u32 s20, $0x1;
	s21 =	simm.s32 $0x0;
	_ =	swait.ge [sflag:s19], $0x400  }
0x63: {  	s12 =	sand.u32 $0x78, s12;
	s13 =	sand.u32 $0x6, s21;
	[sflag:s19] =	ssyncset.done $0x0  }
0x64: {  	s13 =	sor.u32 s13, s12;
	[sflag:s19] =	ssyncadd.s32 $0xFFFFFC00  }
0x65: {  	v0 =	vmov s13;
	_ =	swait.ge [sflag:s19], $0x400  }
0x66: {  	v0 =	vbroadcast v0, $0x0;
	[sflag:s19] =	ssyncset.done $0x0  }
0x67: {  	[sflag:s19] =	ssyncadd.s32 $0xFFFFFC00  }
0x68: {  	_ =	swait.ge [sflag:s19], $0x400  }
0x69: {  	[sflag:s19] =	ssyncset.done $0x0  }
0x6a: {  	[sflag:s19] =	ssyncadd.s32 $0xFFFFFC00  }
0x6b: {  	[bflag:$0x0] =	sbarrier.arrive $0xFFFF  }
0x6c: {  	v0 =	vld.idx.msk [tilespmem:v0+s8+$0x0], $0xffff  }
0x6d: {  	s22 =	simm.s32 $0x0  }
0x6e: {  	v1 =	vld [tilespmem:s22+$0x1500]  }
0x6f: {  	v2 =	vld [tilespmem:s22+$0x1540]  }
0x70: {  	v3 =	vld [tilespmem:s22+$0x1550]  }
0x71: {  	v4 =	vld [tilespmem:s22+$0x1520];
	v0 =	vadd.f32 v0, v0  }
0x72: {  	v5 =	vld [tilespmem:s22+$0x1530]  }
0x73: {  	v6 =	vld [tilespmem:s22+$0x1570];
	v1 =	vmul.f32 v1, v0  }
0x74: {  	v7 =	vld [tilespmem:s22+$0x1560];
	v2 =	vmul.f32 v2, v0  }
0x75: {  	v8 =	vld [tilespmem:s22+$0x1510];
	v3 =	vmul.f32 v3, v0;
	[tilespmem:s22+$0x2900] =	vst v1  }
0x76: {  	s23 =	simm.s32 $0x1;
	v1 =	vmul.f32 v4, v0;
	[tilespmem:s22+$0x2940] =	vst v2  }
0x77: {  	s11 =	sand.u32 $0x7, s23;
	v2 =	vmul.f32 v5, v0;
	[tilespmem:s22+$0x2950] =	vst v3  }
0x78: {  	s11 =	sor.u32 s11, s12;
	v3 =	vmul.f32 v6, v0;
	[tilespmem:s22+$0x2920] =	vst v1  }
0x79: {  	v1 =	vmul.f32 v7, v0;
	[tilespmem:s22+$0x2930] =	vst v2;
	v2 =	vmov s11  }
0x7a: {  	v0 =	vmul.f32 v8, v0;
	[tilespmem:s22+$0x2970] =	vst v3  }
0x7b: {  	[tilespmem:s22+$0x2960] =	vst v1  }
0x7c: {  	s25 =	simm.s32 $0x100;
	s24 =	simm.s32 $0x2900;
	[tilespmem:s22+$0x2910] =	vst v0  }
0x7d: {  	[spmem:s6] =	stream.indirect.scatter.add.f32 [tilespmem:s24], [sflag:$0x1], $0x1, s25, s7, $0xb8;
	[tilespmem:$0x7A20] =	vst v63  }
0x7e: {  	v0 =	vld.idx.msk [tilespmem:v2+s8+$0x0], $0xffff  }
0x7f: {  	v1 =	vld [tilespmem:s22+$0x1590]  }
0x80: {  	v3 =	vld [tilespmem:s22+$0x15B0]  }
0x81: {  	v2 =	vld [tilespmem:s22+$0x1580]  }
0x82: {  	v59 =	vld [tilespmem:s22+$0x15A0]  }
0x83: {  	v60 =	vld [tilespmem:s22+$0x15D0];
	v0 =	vadd.f32 v0, v0  }
0x84: {  	v61 =	vld [tilespmem:s22+$0x15C0]  }
0x85: {  	v62 =	vld [tilespmem:s22+$0x15E0];
	v1 =	vmul.f32 v1, v0  }
0x86: {  	v63 =	vld [tilespmem:s22+$0x15F0];
	v2 =	vmul.f32 v2, v0  }
0x87: {  	s26 =	sadd.s32 $0x0, s10;
	[tilespmem:s22+$0x2990] =	vst v1;
	v1 =	vmul.f32 v3, v0  }
0x88: {  	s28 =	simm.s32 $0x2;
	s11 =	sshrl.u32 s26, $0x1;
	v3 =	vmul.f32 v59, v0;
	[tilespmem:s22+$0x2980] =	vst v2  }
0x89: {  	s12 =	sand.u32 $0x6, s28;
	s30 =	sand.u32 $0x78, s11;
	v2 =	vmul.f32 v60, v0;
	[tilespmem:s22+$0x29B0] =	vst v1  }
0x8a: {  	s17 =	sor.u32 s12, s30;
	v1 =	vmul.f32 v61, v0;
	[tilespmem:s22+$0x29A0] =	vst v3  }
0x8b: {  	v3 =	vmul.f32 v62, v0;
	[tilespmem:s22+$0x29D0] =	vst v2;
	v2 =	vmul.f32 v63, v0;
	v0 =	vmov s17  }
0x8c: {  	s29 =	simm.s32 $0x3;
	v0 =	vbroadcast v0, $0x0  }
0x8d: {  	s31 =	sand.u32 $0x7, s29;
	s14 =	simm.s32 $0x2;
	[tilespmem:s22+$0x29C0] =	vst v1  }
0x8e: {  	s15 =	simm.s32 $0x5;
	s13 =	simm.s32 $0x800;
	s18 =	simm.s32 $0x180;
	[tilespmem:s22+$0x29E0] =	vst v3  }
0x8f: {  	s11 =	simm.s32 $0x100;
	s12 =	sor.u32 s31, s30;
	s17 =	simm.s32 $0x2980;
	[tilespmem:s22+$0x29F0] =	vst v2  }
.LBB2_1:
0x90: {  	[spmem:s6] =	stream.indirect.scatter.add.f32 [tilespmem:s17], [sflag:$0x1], $0x1, s18, s7, $0xb8;
	[tilespmem:$0x7A20] =	vst v63  }
0x91: {  	s16 =	sshra.s32 s13, $0x2;
	p0 =	sne.s32 s13, $0x4C00;
	s13 =	sadd.s32 $0x400, s13;
	v1 =	vld [tilespmem:s11+$0x1560]  }
0x92: {  	v0 =	vld.idx.msk [tilespmem:v0+s8+$0x0], $0xffff  }
0x93: {  	v2 =	vld [tilespmem:s11+$0x1550]  }
0x94: {  	v3 =	vld [tilespmem:s11+$0x1540]  }
0x95: {  	v4 =	vld [tilespmem:s11+$0x1500]  }
0x96: {  	s17 =	sshrl.u32 s14, $0x2;
	v5 =	vld [tilespmem:s11+$0x1520]  }
0x97: {  	s17 =	sadd.s32 s10, s17;
	v6 =	vld [tilespmem:s11+$0x1510]  }
0x98: {  	s18 =	sadd.s32 $0xFFFFFFFF, s15;
	s17 =	sshrl.u32 s17, $0x1;
	v7 =	vadd.f32 v0, v0;
	v8 =	vld [tilespmem:s11+$0x1530]  }
0x99: {  	s19 =	sand.u32 $0x7, s15;
	s18 =	sand.u32 $0x6, s18;
	s17 =	sand.u32 $0x78, s17;
	v9 =	vld [tilespmem:s11+$0x1570]  }
0x9a: {  	s18 =	sor.u32 s18, s17;
	s17 =	sor.u32 s19, s17;
	v3 =	vmul.f32 v3, v7;
	v4 =	vmul.f32 v4, v7  }
0x9b: {  	v0 =	vmov s18;
	v2 =	vmul.f32 v2, v7;
	v5 =	vmul.f32 v5, v7  }
0x9c: {  	v0 =	vbroadcast v0, $0x0;
	[tilespmem:s11+$0x2900] =	vst v4;
	v4 =	vmul.f32 v6, v7  }
0x9d: {  	v1 =	vmul.f32 v1, v7;
	v6 =	vmul.f32 v8, v7;
	[tilespmem:s11+$0x2940] =	vst v3  }
0x9e: {  	[tilespmem:s11+$0x2950] =	vst v2;
	v2 =	vmul.f32 v9, v7  }
0x9f: {  	[tilespmem:s11+$0x2920] =	vst v5  }
0xa0: {  	[tilespmem:s11+$0x2930] =	vst v6  }
0xa1: {  	[tilespmem:s11+$0x2970] =	vst v2;
	v2 =	vmov s12;
	s12 =	smov.u32 s17  }
0xa2: {  	[tilespmem:s11+$0x2960] =	vst v1  }
0xa3: {  	s18 =	sadd.s32 $0x100, s11;
	s17 =	sadd.s32 $0x2900, s11;
	[tilespmem:s11+$0x2910] =	vst v4  }
0xa4: {  	[spmem:s6] =	stream.indirect.scatter.add.f32 [tilespmem:s17], [sflag:$0x1], $0x1, s18, s7, $0xb8;
	[tilespmem:$0x7A20] =	vst v63  }
0xa5: {  	v1 =	vld [tilespmem:s11+$0x15B0]  }
0xa6: {  	v2 =	vld.idx.msk [tilespmem:v2+s8+$0x0], $0xffff  }
0xa7: {  	v3 =	vld [tilespmem:s11+$0x1590]  }
0xa8: {  	v4 =	vld [tilespmem:s11+$0x1580]  }
0xa9: {  	v5 =	vld [tilespmem:s11+$0x15A0]  }
0xaa: {  	v6 =	vld [tilespmem:s11+$0x15C0]  }
0xab: {  	v7 =	vld [tilespmem:s11+$0x15E0]  }
0xac: {  	v8 =	vld [tilespmem:s11+$0x15F0]  }
0xad: {  	v2 =	vadd.f32 v2, v2;
	v9 =	vld [tilespmem:s11+$0x15D0];
	_ =	sdelay $0x1  }
0xae: {  	v3 =	vmul.f32 v3, v2;
	v6 =	vmul.f32 v6, v2  }
0xaf: {  	v4 =	vmul.f32 v4, v2;
	v7 =	vmul.f32 v7, v2  }
0xb0: {  	v1 =	vmul.f32 v1, v2;
	[tilespmem:s11+$0x2990] =	vst v3;
	v3 =	vmul.f32 v5, v2  }
0xb1: {  	[tilespmem:s11+$0x2980] =	vst v4;
	v4 =	vmul.f32 v9, v2;
	v2 =	vmul.f32 v8, v2  }
0xb2: {  	[tilespmem:s11+$0x29B0] =	vst v1  }
.Ltmp0:
0xb3: {  	[tilespmem:s11+$0x29A0] =	vst v3;
	(pc) =	sbr.rel @p0 .LBB2_1-.Ltmp0, $4  }
0xb4: {  	[tilespmem:s11+$0x29D0] =	vst v4  }
0xb5: {  	[tilespmem:s11+$0x29C0] =	vst v6  }
0xb6: {  	s17 =	sadd.s32 $0x2980, s11;
	s18 =	sadd.s32 $0x180, s11;
	[tilespmem:s11+$0x29E0] =	vst v7  }
0xb7: {  	s14 =	sadd.s32 $0x1, s14;
	s15 =	sadd.s32 $0x2, s15;
	[tilespmem:s11+$0x29F0] =	vst v2;
	s11 =	smov.u32 s16  }
0xb8: {  	_ =	sdelay $0x2  }
0xb9: {  	[spmem:s6] =	stream.indirect.scatter.add.f32 [tilespmem:s17], [sflag:$0x1], $0x1, s18, s7, $0xb8;
	[tilespmem:$0x7A20] =	vst v63  }
0xba: {  	v0 =	vld.idx.msk [tilespmem:v0+s8+$0x0], $0xffff;
	_ =	sdelay $0x1  }
0xbb: {  	v2 =	vld [tilespmem:s11+$0x1500]  }
0xbc: {  	v3 =	vld [tilespmem:s11+$0x1540]  }
0xbd: {  	v4 =	vld [tilespmem:s11+$0x1550]  }
0xbe: {  	v7 =	vld [tilespmem:s11+$0x1570];
	v0 =	vadd.f32 v0, v0  }
0xbf: {  	v5 =	vld [tilespmem:s11+$0x1520]  }
0xc0: {  	v1 =	vld [tilespmem:s11+$0x1560];
	v2 =	vmul.f32 v2, v0  }
0xc1: {  	v6 =	vld [tilespmem:s11+$0x1530];
	v3 =	vmul.f32 v3, v0  }
0xc2: {  	v8 =	vld [tilespmem:s11+$0x1510];
	v4 =	vmul.f32 v4, v0;
	[tilespmem:s11+$0x2900] =	vst v2  }
0xc3: {  	v58 =	vmul.f32 v7, v0;
	[tilespmem:s11+$0x2940] =	vst v3  }
0xc4: {  	v2 =	vmul.f32 v5, v0;
	[tilespmem:s11+$0x2950] =	vst v4  }
0xc5: {  	v1 =	vmul.f32 v1, v0;
	[tilespmem:s11+$0x2970] =	vst v58  }
0xc6: {  	v3 =	vmul.f32 v6, v0;
	[tilespmem:s11+$0x2920] =	vst v2;
	v2 =	vmov s12  }
0xc7: {  	v0 =	vmul.f32 v8, v0;
	[tilespmem:s11+$0x2960] =	vst v1  }
0xc8: {  	[tilespmem:s11+$0x2930] =	vst v3  }
0xc9: {  	s10 =	sadd.s32 $0x2900, s11;
	s25 =	sadd.s32 $0x100, s11;
	[tilespmem:s11+$0x2910] =	vst v0  }
0xca: {  	[spmem:s6] =	stream.indirect.scatter.add.f32 [tilespmem:s10], [sflag:$0x1], $0x1, s25, s7, $0xb8;
	[tilespmem:$0x7A20] =	vst v63  }
0xcb: {  	v0 =	vld.idx.msk [tilespmem:v2+s8+$0x0], $0xffff;
	_ =	sdelay $0x1  }
0xcc: {  	v2 =	vld [tilespmem:s11+$0x1590]  }
0xcd: {  	v3 =	vld [tilespmem:s11+$0x1580]  }
0xce: {  	v1 =	vld [tilespmem:s11+$0x15B0]  }
0xcf: {  	v59 =	vld [tilespmem:s11+$0x15A0];
	v0 =	vadd.f32 v0, v0  }
0xd0: {  	v61 =	vld [tilespmem:s11+$0x15D0]  }
0xd1: {  	v60 =	vld [tilespmem:s11+$0x15C0];
	v2 =	vmul.f32 v2, v0  }
0xd2: {  	v62 =	vld [tilespmem:s11+$0x15E0];
	v3 =	vmul.f32 v3, v0  }
0xd3: {  	v63 =	vld [tilespmem:s11+$0x15F0];
	v1 =	vmul.f32 v1, v0;
	[tilespmem:s11+$0x2990] =	vst v2  }
0xd4: {  	v2 =	vmul.f32 v59, v0;
	[tilespmem:s11+$0x2980] =	vst v3  }
0xd5: {  	v3 =	vmul.f32 v61, v0;
	[tilespmem:s11+$0x29B0] =	vst v1  }
0xd6: {  	v1 =	vmul.f32 v60, v0;
	[tilespmem:s11+$0x29A0] =	vst v2  }
0xd7: {  	v2 =	vmul.f32 v62, v0;
	[tilespmem:s11+$0x29D0] =	vst v3  }
0xd8: {  	v0 =	vmul.f32 v63, v0;
	[tilespmem:s11+$0x29C0] =	vst v1  }
0xd9: {  	[tilespmem:s11+$0x29E0] =	vst v2  }
0xda: {  	s26 =	sadd.s32 $0x2980, s11;
	s28 =	sadd.s32 $0x180, s11;
	s29 =	simm.s32 $0x0;
	[tilespmem:s11+$0x29F0] =	vst v0  }
0xdb: {  	[spmem:s6] =	stream.indirect.scatter.add.f32 [tilespmem:s26], [sflag:$0x1], $0x1, s28, s7, $0xb8;
	[tilespmem:$0x7A20] =	vst v63  }
0xdc: {  	s30 =	sand.u32 $0x800, s29;
	s6 =	sand.u32 $0x380, s29  }
0xdd: {  	s7 =	sor.u32 s6, s30  }
0xde: {  	v1 =	vld [tilespmem:s7+$0x3F00];
	_ =	sdelay $0x3  }
0xdf: {  	v0 =	vmov s9  }
0xe0: {  	s6 =	simm.s32 $0x5F80;
	v1 =	vadd.s32 v0, v1  }
0xe1: {  	[tilespmem:s6+$0xFFFFFF80] =	vst v1  }
0xe2: {  	v1 =	vld [tilespmem:s7+$0x3F10];
	_ =	sdelay $0x4  }
0xe3: {  	v1 =	vadd.s32 v0, v1  }
0xe4: {  	[tilespmem:s6+$0xFFFFFF90] =	vst v1  }
0xe5: {  	v1 =	vld [tilespmem:s7+$0x3F20];
	_ =	sdelay $0x4  }
0xe6: {  	v1 =	vadd.s32 v0, v1  }
0xe7: {  	[tilespmem:s6+$0xFFFFFFA0] =	vst v1  }
0xe8: {  	v1 =	vld [tilespmem:s7+$0x3F30];
	_ =	sdelay $0x4  }
0xe9: {  	v1 =	vadd.s32 v0, v1  }
0xea: {  	[tilespmem:s6+$0xFFFFFFB0] =	vst v1  }
0xeb: {  	v1 =	vld [tilespmem:s7+$0x3F40];
	_ =	sdelay $0x4  }
0xec: {  	v1 =	vadd.s32 v0, v1  }
0xed: {  	[tilespmem:s6+$0xFFFFFFC0] =	vst v1  }
0xee: {  	v1 =	vld [tilespmem:s7+$0x3F50];
	_ =	sdelay $0x4  }
0xef: {  	v1 =	vadd.s32 v0, v1  }
0xf0: {  	[tilespmem:s6+$0xFFFFFFD0] =	vst v1  }
0xf1: {  	v1 =	vld [tilespmem:s7+$0x3F60];
	_ =	sdelay $0x4  }
0xf2: {  	v1 =	vadd.s32 v0, v1  }
0xf3: {  	[tilespmem:s6+$0xFFFFFFE0] =	vst v1  }
0xf4: {  	v1 =	vld [tilespmem:s7+$0x3F70];
	_ =	sdelay $0x4  }
0xf5: {  	v1 =	vadd.s32 v0, v1  }
0xf6: {  	[tilespmem:s6+$0xFFFFFFF0] =	vst v1  }
0xf7: {  	v1 =	vld [tilespmem:s7+$0x4300];
	_ =	sdelay $0x4  }
0xf8: {  	v1 =	vadd.s32 v0, v1  }
0xf9: {  	[tilespmem:s6+$0x0] =	vst v1  }
0xfa: {  	v1 =	vld [tilespmem:s7+$0x4310];
	_ =	sdelay $0x4  }
0xfb: {  	v1 =	vadd.s32 v0, v1  }
0xfc: {  	[tilespmem:s6+$0x10] =	vst v1  }
0xfd: {  	v1 =	vld [tilespmem:s7+$0x4320];
	_ =	sdelay $0x4  }
0xfe: {  	v1 =	vadd.s32 v0, v1  }
0xff: {  	[tilespmem:s6+$0x20] =	vst v1  }
0x100: {  	v1 =	vld [tilespmem:s7+$0x4330];
	_ =	sdelay $0x4  }
0x101: {  	v1 =	vadd.s32 v0, v1  }
0x102: {  	[tilespmem:s6+$0x30] =	vst v1  }
0x103: {  	v1 =	vld [tilespmem:s7+$0x4340];
	_ =	sdelay $0x4  }
0x104: {  	v1 =	vadd.s32 v0, v1  }
0x105: {  	[tilespmem:s6+$0x40] =	vst v1  }
0x106: {  	v1 =	vld [tilespmem:s7+$0x4350];
	_ =	sdelay $0x4  }
0x107: {  	v1 =	vadd.s32 v0, v1  }
0x108: {  	[tilespmem:s6+$0x50] =	vst v1  }
0x109: {  	v1 =	vld [tilespmem:s7+$0x4360];
	_ =	sdelay $0x4  }
0x10a: {  	v1 =	vadd.s32 v0, v1  }
0x10b: {  	[tilespmem:s6+$0x60] =	vst v1  }
0x10c: {  	v1 =	vld [tilespmem:s7+$0x4370];
	_ =	sdelay $0x3  }
0x10d: {  	s31 =	simm.s32 $0x100;
	s7 =	simm.s32 $0x80  }
0x10e: {  	s8 =	simm.s32 $0x200;
	s9 =	sand.u32 $0x800, s31;
	s10 =	sand.u32 $0x380, s7;
	v1 =	vadd.s32 v0, v1  }
.LBB2_3:
0x10f: {  	p0 =	sne.s32 s8, $0xA00;
	s9 =	sor.u32 s10, s9;
	[tilespmem:s6+$0x70] =	vst v1  }
0x110: {  	v1 =	vld [tilespmem:s9+$0x3F00];
	_ =	sdelay $0x4  }
0x111: {  	s6 =	sadd.s32 $0x100, s6;
	v1 =	vadd.s32 v0, v1  }
0x112: {  	[tilespmem:s6+$0xFFFFFF80] =	vst v1  }
0x113: {  	v1 =	vld [tilespmem:s9+$0x3F10];
	_ =	sdelay $0x4  }
0x114: {  	v1 =	vadd.s32 v0, v1  }
0x115: {  	[tilespmem:s6+$0xFFFFFF90] =	vst v1  }
0x116: {  	v1 =	vld [tilespmem:s9+$0x3F20];
	_ =	sdelay $0x4  }
0x117: {  	v1 =	vadd.s32 v0, v1  }
0x118: {  	[tilespmem:s6+$0xFFFFFFA0] =	vst v1  }
0x119: {  	v1 =	vld [tilespmem:s9+$0x3F30];
	_ =	sdelay $0x4  }
0x11a: {  	v1 =	vadd.s32 v0, v1  }
0x11b: {  	[tilespmem:s6+$0xFFFFFFB0] =	vst v1  }
0x11c: {  	v1 =	vld [tilespmem:s9+$0x3F40];
	_ =	sdelay $0x4  }
0x11d: {  	v1 =	vadd.s32 v0, v1  }
0x11e: {  	[tilespmem:s6+$0xFFFFFFC0] =	vst v1  }
0x11f: {  	v1 =	vld [tilespmem:s9+$0x3F50];
	_ =	sdelay $0x4  }
0x120: {  	v1 =	vadd.s32 v0, v1  }
0x121: {  	[tilespmem:s6+$0xFFFFFFD0] =	vst v1  }
0x122: {  	v1 =	vld [tilespmem:s9+$0x3F60];
	_ =	sdelay $0x4  }
0x123: {  	v1 =	vadd.s32 v0, v1  }
0x124: {  	[tilespmem:s6+$0xFFFFFFE0] =	vst v1  }
0x125: {  	v1 =	vld [tilespmem:s9+$0x3F70];
	_ =	sdelay $0x4  }
0x126: {  	v1 =	vadd.s32 v0, v1  }
0x127: {  	[tilespmem:s6+$0xFFFFFFF0] =	vst v1  }
0x128: {  	v1 =	vld [tilespmem:s9+$0x4300];
	_ =	sdelay $0x4  }
0x129: {  	v1 =	vadd.s32 v0, v1  }
0x12a: {  	[tilespmem:s6+$0x0] =	vst v1  }
0x12b: {  	v1 =	vld [tilespmem:s9+$0x4310];
	_ =	sdelay $0x4  }
0x12c: {  	v1 =	vadd.s32 v0, v1  }
0x12d: {  	[tilespmem:s6+$0x10] =	vst v1  }
0x12e: {  	v1 =	vld [tilespmem:s9+$0x4320];
	_ =	sdelay $0x4  }
0x12f: {  	v1 =	vadd.s32 v0, v1  }
0x130: {  	[tilespmem:s6+$0x20] =	vst v1  }
0x131: {  	v1 =	vld [tilespmem:s9+$0x4330];
	_ =	sdelay $0x4  }
0x132: {  	v1 =	vadd.s32 v0, v1  }
0x133: {  	[tilespmem:s6+$0x30] =	vst v1  }
0x134: {  	v1 =	vld [tilespmem:s9+$0x4340];
	_ =	sdelay $0x4  }
0x135: {  	v1 =	vadd.s32 v0, v1  }
0x136: {  	[tilespmem:s6+$0x40] =	vst v1  }
0x137: {  	v1 =	vld [tilespmem:s9+$0x4350];
	_ =	sdelay $0x4  }
0x138: {  	v1 =	vadd.s32 v0, v1  }
0x139: {  	[tilespmem:s6+$0x50] =	vst v1  }
0x13a: {  	v1 =	vld [tilespmem:s9+$0x4360];
	_ =	sdelay $0x4  }
0x13b: {  	v1 =	vadd.s32 v0, v1  }
0x13c: {  	[tilespmem:s6+$0x60] =	vst v1  }
0x13d: {  	v1 =	vld [tilespmem:s9+$0x4370]  }
.Ltmp1:
0x13e: {  	(pc) =	sbr.rel @p0 .LBB2_3-.Ltmp1, $3  }
0x13f: {  	_ =	sdelay $0x1  }
0x140: {  	s7 =	sadd.s32 $0x80, s7  }
0x141: {  	s10 =	sand.u32 $0x380, s7;
	s9 =	sand.u32 $0x800, s8;
	s8 =	sadd.s32 $0x100, s8;
	v1 =	vadd.s32 v0, v1  }
0x142: {  	s7 =	sor.u32 s10, s9;
	[tilespmem:s6+$0x70] =	vst v1  }
0x143: {  	v1 =	vld [tilespmem:s7+$0x3F00];
	_ =	sdelay $0x4  }
0x144: {  	s28 =	sadd.s32 $0x100, s6;
	v1 =	vadd.s32 v0, v1  }
0x145: {  	[tilespmem:s28+$0xFFFFFF80] =	vst v1  }
0x146: {  	v1 =	vld [tilespmem:s7+$0x3F10];
	_ =	sdelay $0x4  }
0x147: {  	v1 =	vadd.s32 v0, v1  }
0x148: {  	[tilespmem:s28+$0xFFFFFF90] =	vst v1  }
0x149: {  	v1 =	vld [tilespmem:s7+$0x3F20];
	_ =	sdelay $0x4  }
0x14a: {  	v1 =	vadd.s32 v0, v1  }
0x14b: {  	[tilespmem:s28+$0xFFFFFFA0] =	vst v1  }
0x14c: {  	v1 =	vld [tilespmem:s7+$0x3F30];
	_ =	sdelay $0x4  }
0x14d: {  	v1 =	vadd.s32 v0, v1  }
0x14e: {  	[tilespmem:s28+$0xFFFFFFB0] =	vst v1  }
0x14f: {  	v1 =	vld [tilespmem:s7+$0x3F40];
	_ =	sdelay $0x4  }
0x150: {  	v1 =	vadd.s32 v0, v1  }
0x151: {  	[tilespmem:s28+$0xFFFFFFC0] =	vst v1  }
0x152: {  	v1 =	vld [tilespmem:s7+$0x3F50];
	_ =	sdelay $0x4  }
0x153: {  	v1 =	vadd.s32 v0, v1  }
0x154: {  	[tilespmem:s28+$0xFFFFFFD0] =	vst v1  }
0x155: {  	v1 =	vld [tilespmem:s7+$0x3F60];
	_ =	sdelay $0x4  }
0x156: {  	v1 =	vadd.s32 v0, v1  }
0x157: {  	[tilespmem:s28+$0xFFFFFFE0] =	vst v1  }
0x158: {  	v1 =	vld [tilespmem:s7+$0x3F70];
	_ =	sdelay $0x4  }
0x159: {  	v1 =	vadd.s32 v0, v1  }
0x15a: {  	[tilespmem:s28+$0xFFFFFFF0] =	vst v1  }
0x15b: {  	v1 =	vld [tilespmem:s7+$0x4300];
	_ =	sdelay $0x4  }
0x15c: {  	v1 =	vadd.s32 v0, v1  }
0x15d: {  	[tilespmem:s28+$0x0] =	vst v1  }
0x15e: {  	v1 =	vld [tilespmem:s7+$0x4310];
	_ =	sdelay $0x4  }
0x15f: {  	v1 =	vadd.s32 v0, v1  }
0x160: {  	[tilespmem:s28+$0x10] =	vst v1  }
0x161: {  	v1 =	vld [tilespmem:s7+$0x4320];
	_ =	sdelay $0x4  }
0x162: {  	v1 =	vadd.s32 v0, v1  }
0x163: {  	[tilespmem:s28+$0x20] =	vst v1  }
0x164: {  	v1 =	vld [tilespmem:s7+$0x4330];
	_ =	sdelay $0x4  }
0x165: {  	v1 =	vadd.s32 v0, v1  }
0x166: {  	[tilespmem:s28+$0x30] =	vst v1  }
0x167: {  	v1 =	vld [tilespmem:s7+$0x4340];
	_ =	sdelay $0x4  }
0x168: {  	v1 =	vadd.s32 v0, v1  }
0x169: {  	[tilespmem:s28+$0x40] =	vst v1  }
0x16a: {  	v1 =	vld [tilespmem:s7+$0x4350];
	_ =	sdelay $0x4  }
0x16b: {  	v1 =	vadd.s32 v0, v1  }
0x16c: {  	[tilespmem:s28+$0x50] =	vst v1  }
0x16d: {  	v1 =	vld [tilespmem:s7+$0x4360];
	_ =	sdelay $0x4  }
0x16e: {  	v1 =	vadd.s32 v0, v1  }
0x16f: {  	[tilespmem:s28+$0x60] =	vst v1  }
0x170: {  	v1 =	vld [tilespmem:s7+$0x4370];
	_ =	sdelay $0x4  }
0x171: {  	v0 =	vadd.s32 v0, v1  }
0x172: {  	s29 =	simm.s32 $0x1;
	[tilespmem:s28+$0x70] =	vst v0  }
0x173: {  	_ =	swait.ge [sflag:s29], $0x1400  }
0x174: {  	[sflag:s29] =	ssyncset.done $0x0  }
0x175: {  	[sflag:s29] =	ssyncadd.s32 $0xFFFFEC00  }
0x176: {  	s30 =	simm.s32 $0x3D00;
	s31 =	simm.s32 $0x3;
	[bflag:$0x0] =	sbarrier.arrive $0xFFFF  }
0x177: {  	[tilespmem:s30], [sflag:$0x3] =	stream.linear.gather [spmem:s5], $0x100, $0x38;
	[tilespmem:$0x7A20] =	vst v63  }
0x178: {  	_ =	swait.ge [sflag:s31], $0x100  }
0x179: {  	[sflag:s31] =	ssyncset.done $0x0  }
0x17a: {  	[sflag:s31] =	ssyncadd.s32 $0xFFFFFF00  }
0x17b: {  	s6 =	simm.s32 $0x0;
	v0 =	vld [tilespmem:$0x80]  }
0x17c: {  	v2 =	vld [tilespmem:s6+$0x3D00];
	_ =	sdelay $0x3  }
0x17d: {  	s7 =	simm.s32 $0x40;
	v1 =	vimm.f32 $0.0e+00;
	s5 =	simm.s32 $0x0;
	vm0 =	vgt.s32 v0, $0x0  }
.LBB2_5:
0x17e: {  	s8 =	sshra.s32 s7, $0x2;
	p0 =	sne.s32 s7, $0x3C0;
	s7 =	sadd.s32 $0x40, s7;
	v3 =	vmul.f32 $9.512294530e-01, v2  }
.Ltmp2:
0x17f: {  	v2 =	vld [tilespmem:s8+$0x3D00];
	(pc) =	sbr.rel @p0 .LBB2_5-.Ltmp2, $4  }
0x180: {  	vm1 =	vge.f32 v3, $3.000000120e-01  }
0x181: {  	vm1 =	vmand vm1, vm0  }
0x182: {  	v3 =	vsel vm1, $0x3F800000, v1  }
0x183: {  	[tilespmem:s6+$0x3E00] =	vst v3;
	s6 =	smov.u32 s8  }
0x184: {  	v2 =	vmul.f32 $9.512294530e-01, v2;
	_ =	sdelay $0x1  }
0x185: {  	vm1 =	vge.f32 v2, $3.000000120e-01  }
0x186: {  	vm0 =	vmand vm1, vm0  }
0x187: {  	v1 =	vsel vm0, $0x3F800000, v1  }
0x188: {  	s31 =	sand.u32 $0x800, s5;
	s7 =	sand.u32 $0x380, s5;
	[tilespmem:s6+$0x3E00] =	vst v1  }
0x189: {  	s7 =	sor.u32 s7, s31;
	v1 =	vld [tilespmem:$0x3E00]  }
0x18a: {  	v2 =	vld [tilespmem:s7+$0x4F00];
	_ =	sdelay $0x4  }
0x18b: {  	v1 =	vmul.f32 v2, v1  }
0x18c: {  	s6 =	simm.s32 $0x0  }
0x18d: {  	[tilespmem:s6+$0x6B00] =	vst v1  }
0x18e: {  	v1 =	vld [tilespmem:$0x3E10]  }
0x18f: {  	v2 =	vld [tilespmem:s7+$0x4F10];
	_ =	sdelay $0x4  }
0x190: {  	v1 =	vmul.f32 v2, v1;
	_ =	sdelay $0x1  }
0x191: {  	[tilespmem:s6+$0x6B10] =	vst v1  }
0x192: {  	v1 =	vld [tilespmem:$0x3E20]  }
0x193: {  	v2 =	vld [tilespmem:s7+$0x4F20];
	_ =	sdelay $0x4  }
0x194: {  	v1 =	vmul.f32 v2, v1;
	_ =	sdelay $0x1  }
0x195: {  	[tilespmem:s6+$0x6B20] =	vst v1  }
0x196: {  	v1 =	vld [tilespmem:$0x3E30]  }
0x197: {  	v2 =	vld [tilespmem:s7+$0x4F30];
	_ =	sdelay $0x4  }
0x198: {  	v1 =	vmul.f32 v2, v1;
	_ =	sdelay $0x1  }
0x199: {  	[tilespmem:s6+$0x6B30] =	vst v1  }
0x19a: {  	v1 =	vld [tilespmem:$0x3E40]  }
0x19b: {  	v2 =	vld [tilespmem:s7+$0x4F40];
	_ =	sdelay $0x4  }
0x19c: {  	v1 =	vmul.f32 v2, v1;
	_ =	sdelay $0x1  }
0x19d: {  	[tilespmem:s6+$0x6B40] =	vst v1  }
0x19e: {  	v1 =	vld [tilespmem:$0x3E50]  }
0x19f: {  	v2 =	vld [tilespmem:s7+$0x4F50];
	_ =	sdelay $0x4  }
0x1a0: {  	v1 =	vmul.f32 v2, v1;
	_ =	sdelay $0x1  }
0x1a1: {  	[tilespmem:s6+$0x6B50] =	vst v1  }
0x1a2: {  	v1 =	vld [tilespmem:$0x3E60]  }
0x1a3: {  	v2 =	vld [tilespmem:s7+$0x4F60];
	_ =	sdelay $0x4  }
0x1a4: {  	v1 =	vmul.f32 v2, v1;
	_ =	sdelay $0x1  }
0x1a5: {  	[tilespmem:s6+$0x6B60] =	vst v1  }
0x1a6: {  	v1 =	vld [tilespmem:$0x3E70]  }
0x1a7: {  	v2 =	vld [tilespmem:s7+$0x4F70];
	_ =	sdelay $0x4  }
0x1a8: {  	v1 =	vmul.f32 v2, v1;
	_ =	sdelay $0x1  }
0x1a9: {  	s8 =	simm.s32 $0x80;
	s9 =	simm.s32 $0x6B00;
	s10 =	simm.s32 $0x5F00;
	[tilespmem:s6+$0x6B70] =	vst v1  }
0x1aa: {  	[spmem:s3] =	stream.indirect.scatter.add.f32 [tilespmem:s9], [sflag:$0x1], $0x1, s10, s8, $0xb8;
	[tilespmem:$0x7A20] =	vst v63  }
0x1ab: {  	v1 =	vld [tilespmem:$0x3E80]  }
0x1ac: {  	v2 =	vld [tilespmem:s7+$0x5300];
	_ =	sdelay $0x4  }
0x1ad: {  	v1 =	vmul.f32 v2, v1;
	_ =	sdelay $0x1  }
0x1ae: {  	[tilespmem:s6+$0x6B80] =	vst v1  }
0x1af: {  	v1 =	vld [tilespmem:$0x3E90]  }
0x1b0: {  	v2 =	vld [tilespmem:s7+$0x5310];
	_ =	sdelay $0x4  }
0x1b1: {  	v1 =	vmul.f32 v2, v1;
	_ =	sdelay $0x1  }
0x1b2: {  	[tilespmem:s6+$0x6B90] =	vst v1  }
0x1b3: {  	v1 =	vld [tilespmem:$0x3EA0]  }
0x1b4: {  	v2 =	vld [tilespmem:s7+$0x5320];
	_ =	sdelay $0x4  }
0x1b5: {  	v1 =	vmul.f32 v2, v1;
	_ =	sdelay $0x1  }
0x1b6: {  	[tilespmem:s6+$0x6BA0] =	vst v1  }
0x1b7: {  	v1 =	vld [tilespmem:$0x3EB0]  }
0x1b8: {  	v2 =	vld [tilespmem:s7+$0x5330];
	_ =	sdelay $0x4  }
0x1b9: {  	v1 =	vmul.f32 v2, v1;
	_ =	sdelay $0x1  }
0x1ba: {  	[tilespmem:s6+$0x6BB0] =	vst v1  }
0x1bb: {  	v1 =	vld [tilespmem:$0x3EC0]  }
0x1bc: {  	v2 =	vld [tilespmem:s7+$0x5340];
	_ =	sdelay $0x4  }
0x1bd: {  	v1 =	vmul.f32 v2, v1;
	_ =	sdelay $0x1  }
0x1be: {  	[tilespmem:s6+$0x6BC0] =	vst v1  }
0x1bf: {  	v1 =	vld [tilespmem:$0x3ED0]  }
0x1c0: {  	v2 =	vld [tilespmem:s7+$0x5350];
	_ =	sdelay $0x4  }
0x1c1: {  	v1 =	vmul.f32 v2, v1;
	_ =	sdelay $0x1  }
0x1c2: {  	[tilespmem:s6+$0x6BD0] =	vst v1  }
0x1c3: {  	v1 =	vld [tilespmem:$0x3EE0]  }
0x1c4: {  	s11 =	simm.s32 $0x6B80;
	v2 =	vld [tilespmem:s7+$0x5360]  }
0x1c5: {  	s12 =	simm.s32 $0x5F80;
	s9 =	simm.s32 $0x400;
	s10 =	simm.s32 $0x0  }
.LBB2_7:
0x1c6: {  	p0 =	sne.s32 s9, $0x2800;
	s5 =	sadd.s32 $0x80, s5;
	s10 =	sadd.s32 $0x100, s10  }
0x1c7: {  	s13 =	smov.u32 s9;
	s9 =	sadd.s32 $0x400, s9;
	_ =	sdelay $0x1  }
0x1c8: {  	v1 =	vmul.f32 v2, v1;
	_ =	sdelay $0x1  }
0x1c9: {  	[tilespmem:s6+$0x6BE0] =	vst v1  }
0x1ca: {  	v1 =	vld [tilespmem:$0x3EF0]  }
0x1cb: {  	v2 =	vld [tilespmem:s7+$0x5370];
	_ =	sdelay $0x4  }
0x1cc: {  	v1 =	vmul.f32 v2, v1;
	_ =	sdelay $0x1  }
0x1cd: {  	s14 =	sand.u32 $0x380, s5;
	s7 =	sand.u32 $0x800, s10;
	[tilespmem:s6+$0x6BF0] =	vst v1  }
0x1ce: {  	[spmem:s3] =	stream.indirect.scatter.add.f32 [tilespmem:s11], [sflag:$0x1], $0x1, s12, s8, $0xb8;
	[tilespmem:$0x7A20] =	vst v63  }
0x1cf: {  	s7 =	sor.u32 s14, s7;
	v1 =	vld [tilespmem:$0x3E00]  }
0x1d0: {  	v2 =	vld [tilespmem:s7+$0x4F00];
	_ =	sdelay $0x4  }
0x1d1: {  	v1 =	vmul.f32 v2, v1  }
0x1d2: {  	s6 =	sshra.s32 s13, $0x2  }
0x1d3: {  	[tilespmem:s6+$0x6B00] =	vst v1  }
0x1d4: {  	v1 =	vld [tilespmem:$0x3E10]  }
0x1d5: {  	v2 =	vld [tilespmem:s7+$0x4F10];
	_ =	sdelay $0x4  }
0x1d6: {  	v1 =	vmul.f32 v2, v1;
	_ =	sdelay $0x1  }
0x1d7: {  	[tilespmem:s6+$0x6B10] =	vst v1  }
0x1d8: {  	v1 =	vld [tilespmem:$0x3E20]  }
0x1d9: {  	v2 =	vld [tilespmem:s7+$0x4F20];
	_ =	sdelay $0x4  }
0x1da: {  	v1 =	vmul.f32 v2, v1;
	_ =	sdelay $0x1  }
0x1db: {  	[tilespmem:s6+$0x6B20] =	vst v1  }
0x1dc: {  	v1 =	vld [tilespmem:$0x3E30]  }
0x1dd: {  	v2 =	vld [tilespmem:s7+$0x4F30];
	_ =	sdelay $0x4  }
0x1de: {  	v1 =	vmul.f32 v2, v1;
	_ =	sdelay $0x1  }
0x1df: {  	[tilespmem:s6+$0x6B30] =	vst v1  }
0x1e0: {  	v1 =	vld [tilespmem:$0x3E40]  }
0x1e1: {  	v2 =	vld [tilespmem:s7+$0x4F40];
	_ =	sdelay $0x4  }
0x1e2: {  	v1 =	vmul.f32 v2, v1;
	_ =	sdelay $0x1  }
0x1e3: {  	[tilespmem:s6+$0x6B40] =	vst v1  }
0x1e4: {  	v1 =	vld [tilespmem:$0x3E50]  }
0x1e5: {  	v2 =	vld [tilespmem:s7+$0x4F50];
	_ =	sdelay $0x4  }
0x1e6: {  	v1 =	vmul.f32 v2, v1;
	_ =	sdelay $0x1  }
0x1e7: {  	[tilespmem:s6+$0x6B50] =	vst v1  }
0x1e8: {  	v1 =	vld [tilespmem:$0x3E60]  }
0x1e9: {  	v2 =	vld [tilespmem:s7+$0x4F60];
	_ =	sdelay $0x4  }
0x1ea: {  	v1 =	vmul.f32 v2, v1;
	_ =	sdelay $0x1  }
0x1eb: {  	[tilespmem:s6+$0x6B60] =	vst v1  }
0x1ec: {  	v1 =	vld [tilespmem:$0x3E70]  }
0x1ed: {  	s11 =	sadd.s32 $0x6B00, s6;
	s12 =	sadd.s32 $0x5F00, s6;
	v2 =	vld [tilespmem:s7+$0x4F70];
	_ =	sdelay $0x4  }
0x1ee: {  	v1 =	vmul.f32 v2, v1;
	_ =	sdelay $0x1  }
0x1ef: {  	[tilespmem:s6+$0x6B70] =	vst v1  }
0x1f0: {  	[spmem:s3] =	stream.indirect.scatter.add.f32 [tilespmem:s11], [sflag:$0x1], $0x1, s12, s8, $0xb8;
	[tilespmem:$0x7A20] =	vst v63  }
0x1f1: {  	v1 =	vld [tilespmem:$0x3E80]  }
0x1f2: {  	v2 =	vld [tilespmem:s7+$0x5300];
	_ =	sdelay $0x4  }
0x1f3: {  	v1 =	vmul.f32 v2, v1;
	_ =	sdelay $0x1  }
0x1f4: {  	[tilespmem:s6+$0x6B80] =	vst v1  }
0x1f5: {  	v1 =	vld [tilespmem:$0x3E90]  }
0x1f6: {  	v2 =	vld [tilespmem:s7+$0x5310];
	_ =	sdelay $0x4  }
0x1f7: {  	v1 =	vmul.f32 v2, v1;
	_ =	sdelay $0x1  }
0x1f8: {  	[tilespmem:s6+$0x6B90] =	vst v1  }
0x1f9: {  	v1 =	vld [tilespmem:$0x3EA0]  }
0x1fa: {  	v2 =	vld [tilespmem:s7+$0x5320];
	_ =	sdelay $0x4  }
0x1fb: {  	v1 =	vmul.f32 v2, v1;
	_ =	sdelay $0x1  }
0x1fc: {  	[tilespmem:s6+$0x6BA0] =	vst v1  }
0x1fd: {  	v1 =	vld [tilespmem:$0x3EB0]  }
0x1fe: {  	v2 =	vld [tilespmem:s7+$0x5330];
	_ =	sdelay $0x4  }
0x1ff: {  	v1 =	vmul.f32 v2, v1;
	_ =	sdelay $0x1  }
0x200: {  	[tilespmem:s6+$0x6BB0] =	vst v1  }
0x201: {  	v1 =	vld [tilespmem:$0x3EC0]  }
0x202: {  	v2 =	vld [tilespmem:s7+$0x5340];
	_ =	sdelay $0x4  }
0x203: {  	v1 =	vmul.f32 v2, v1;
	_ =	sdelay $0x1  }
0x204: {  	[tilespmem:s6+$0x6BC0] =	vst v1  }
0x205: {  	v1 =	vld [tilespmem:$0x3ED0]  }
0x206: {  	v2 =	vld [tilespmem:s7+$0x5350];
	_ =	sdelay $0x4  }
0x207: {  	v1 =	vmul.f32 v2, v1  }
.Ltmp3:
0x208: {  	(pc) =	sbr.rel @p0 .LBB2_7-.Ltmp3, $4  }
0x209: {  	[tilespmem:s6+$0x6BD0] =	vst v1  }
0x20a: {  	v1 =	vld [tilespmem:$0x3EE0]  }
0x20b: {  	v2 =	vld [tilespmem:s7+$0x5360]  }
0x20c: {  	s11 =	sadd.s32 $0x6B80, s6;
	s12 =	sadd.s32 $0x5F80, s6  }
0x20d: {  	_ =	sdelay $0x2  }
0x20e: {  	v1 =	vmul.f32 v2, v1;
	_ =	sdelay $0x1  }
0x20f: {  	[tilespmem:s6+$0x6BE0] =	vst v1  }
0x210: {  	v1 =	vld [tilespmem:$0x3EF0]  }
0x211: {  	v2 =	vld [tilespmem:s7+$0x5370];
	_ =	sdelay $0x4  }
0x212: {  	v1 =	vmul.f32 v2, v1;
	_ =	sdelay $0x1  }
0x213: {  	s5 =	simm.s32 $0x1;
	[tilespmem:s6+$0x6BF0] =	vst v1  }
0x214: {  	[spmem:s3] =	stream.indirect.scatter.add.f32 [tilespmem:s11], [sflag:$0x1], $0x1, s12, s8, $0xb8;
	[tilespmem:$0x7A20] =	vst v63  }
0x215: {  	_ =	swait.ge [sflag:s5], $0xB00  }
0x216: {  	[sflag:s5] =	ssyncset.done $0x0  }
0x217: {  	[sflag:s5] =	ssyncadd.s32 $0xFFFFF500  }
0x218: {  	p0 =	sne.s32 s4, $0x0;
	[bflag:$0x0] =	sbarrier.arrive $0xFFFF  }
0x219: {  	_ =	sfence.sel @p0 $0x180000  }
0x21a: {  	[bflag:$0x0] =	sbarrier.arrive @p0 $0xFFFF  }
0x21b: {  	_ =	strace @p0 $0x90000047  }
0x21c: {  	[bflag:$0x2] =	sbarrier.arrive @p0 $0xFFFF  }
0x21d: {  	_ =	shalt @p0  }
.LBB2_9:
0x21e: {  	s4 =	simm.s32 $0x7600;
	s29 =	simm.s32 $0x3  }
0x21f: {  	[tilespmem:s4], [sflag:$0x3] =	stream.linear.gather [spmem:s3], $0x200, $0x38;
	[tilespmem:$0x7A20] =	vst v63  }
0x220: {  	_ =	swait.ge [sflag:s29], $0x200  }
0x221: {  	[sflag:s29] =	ssyncset.done $0x0  }
0x222: {  	[sflag:s29] =	ssyncadd.s32 $0xFFFFFE00  }
0x223: {  	v1 =	vld [tilespmem:$0x7600]  }
0x224: {  	v2 =	vld [tilespmem:$0x7610]  }
0x225: {  	v3 =	vld [tilespmem:$0x7620]  }
0x226: {  	v4 =	vld [tilespmem:$0x7630]  }
0x227: {  	v5 =	vld [tilespmem:$0x7640]  }
0x228: {  	v6 =	vld [tilespmem:$0x7650];
	v1 =	vadd.f32 $0.0e+00, v1  }
0x229: {  	v7 =	vld [tilespmem:$0x7660];
	v2 =	vadd.f32 $0.0e+00, v2  }
0x22a: {  	v34 =	vld [tilespmem:$0x7670];
	v1 =	vadd.f32 v3, v1  }
0x22b: {  	v8 =	vld [tilespmem:$0x7680];
	v2 =	vadd.f32 v4, v2  }
0x22c: {  	v35 =	vld [tilespmem:$0x7690];
	v1 =	vadd.f32 v5, v1  }
0x22d: {  	v36 =	vld [tilespmem:$0x76A0];
	v2 =	vadd.f32 v6, v2  }
0x22e: {  	v37 =	vld [tilespmem:$0x76B0];
	v1 =	vadd.f32 v7, v1  }
0x22f: {  	v38 =	vld [tilespmem:$0x76C0];
	v2 =	vadd.f32 v34, v2  }
0x230: {  	v39 =	vld [tilespmem:$0x76D0];
	v1 =	vadd.f32 v8, v1  }
0x231: {  	v40 =	vld [tilespmem:$0x76E0];
	v2 =	vadd.f32 v35, v2  }
0x232: {  	v41 =	vld [tilespmem:$0x76F0];
	v1 =	vadd.f32 v36, v1  }
0x233: {  	v42 =	vld [tilespmem:$0x7700];
	v2 =	vadd.f32 v37, v2  }
0x234: {  	v9 =	vcvt.s32.f32 v0;
	v43 =	vld [tilespmem:$0x7710];
	v1 =	vadd.f32 v38, v1  }
0x235: {  	v44 =	vld [tilespmem:$0x7720];
	v2 =	vadd.f32 v39, v2  }
0x236: {  	v9 =	vadd.f32 $-1.000000000e+00, v9;
	v45 =	vld [tilespmem:$0x7730];
	v1 =	vadd.f32 v40, v1  }
0x237: {  	v46 =	vld [tilespmem:$0x7740];
	v2 =	vadd.f32 v41, v2  }
0x238: {  	v9 =	vsub.f32 $0.0e+00, v9;
	v47 =	vld [tilespmem:$0x7750];
	v1 =	vadd.f32 v42, v1  }
0x239: {  	v48 =	vld [tilespmem:$0x7760];
	v2 =	vadd.f32 v43, v2  }
0x23a: {  	v49 =	vld [tilespmem:$0x7770];
	v9 =	vmul.f32 $5.000000070e-02, v9;
	v1 =	vadd.f32 v44, v1  }
0x23b: {  	v50 =	vld [tilespmem:$0x7780];
	v2 =	vadd.f32 v45, v2  }
0x23c: {  	v51 =	vld [tilespmem:$0x7790];
	v9 =	vmul.f32 $1.442695020e+00, v9;
	v1 =	vadd.f32 v46, v1  }
0x23d: {  	v52 =	vld [tilespmem:$0x77A0];
	v2 =	vadd.f32 v47, v2  }
0x23e: {  	v53 =	vld [tilespmem:$0x77B0];
	(erf) = vpow2.f32 v9;
	v1 =	vadd.f32 v48, v1  }
0x23f: {  	v54 =	vld [tilespmem:$0x77C0];
	v2 =	vadd.f32 v49, v2  }
0x240: {  	v55 =	vld [tilespmem:$0x77D0];
	v1 =	vadd.f32 v50, v1  }
0x241: {  	v56 =	vld [tilespmem:$0x77E0];
	v2 =	vadd.f32 v51, v2  }
0x242: {  	v57 =	vld [tilespmem:$0x77F0];
	v1 =	vadd.f32 v52, v1  }
0x243: {  	v2 =	vadd.f32 v53, v2  }
0x244: {  	v1 =	vadd.f32 v54, v1  }
0x245: {  	v2 =	vadd.f32 v55, v2  }
0x246: {  	v1 =	vadd.f32 v56, v1  }
0x247: {  	vm0 =	vgt.s32 v0, $0x1;
	v59 =	vpop (erf);
	v2 =	vadd.f32 v57, v2  }
0x248: {  	v0 =	vnsel vm0, $0x0, v59;
	v58 =	vmul.f32 $9.512294530e-01, v1  }
0x249: {  	v60 =	vmul.f32 $9.512294530e-01, v2;
	v1 =	vmul.f32 v1, v0  }
0x24a: {  	v0 =	vmul.f32 v2, v0;
	vm1 =	vge.f32 v58, $3.000000120e-01  }
0x24b: {  	v61 =	vimm.s32 $0xFFFFFFFF;
	vm15 =	vge.f32 v60, $3.000000120e-01;
	[tilespmem:$0x7880] =	vst v1;
	vm1 =	vmand vm0, vm1  }
0x24c: {  	[tilespmem:$0x7890] =	vst v0;
	vm0 =	vmand vm0, vm15;
	v62 =	vsel vm1, $0x1, v61  }
0x24d: {  	v63 =	vsel vm0, $0x1, v61;
	[tilespmem:$0x7800] =	vst v62  }
0x24e: {  	s30 =	simm.s32 $0x0;
	s5 =	simm.s32 $0x7800;
	[tilespmem:$0x7810] =	vst v63  }
0x24f: {  	[hbm4b:s2+s30] =	stream.linear.scatter [tilespmem:s5], [sflag:$0x3], $0x80, $0x38;
	[tilespmem:$0x7A20] =	vst v63  }
0x250: {  	_ =	swait.ge [sflag:s29], $0x80  }
0x251: {  	[sflag:s29] =	ssyncset.done $0x0  }
0x252: {  	s31 =	simm.s32 $0x7880;
	[sflag:s29] =	ssyncadd.s32 $0xFFFFFF80  }
0x253: {  	[hbm4b:s1+s30] =	stream.linear.scatter [tilespmem:s31], [sflag:$0x3], $0x80, $0x38;
	[tilespmem:$0x7A20] =	vst v63  }
0x254: {  	_ =	swait.ge [sflag:s29], $0x80  }
0x255: {  	[sflag:s29] =	ssyncset.done $0x0  }
0x256: {  	[sflag:s29] =	ssyncadd.s32 $0xFFFFFF80  }
0x257: {  	_ =	sfence.sel $0x180000  }
0x258: {  	[bflag:$0x0] =	sbarrier.arrive $0xFFFF  }
0x259: {  	_ =	strace $0x90000047  }
0x25a: {  	s0 =	sadd.s32 $0x100000, s0;
	[bflag:$0x2] =	sbarrier.arrive $0xFFFF  }
0x25b: {  	[sflag:s0] =	ssyncadd.tile.s32 $0x1;
	_ =	shalt  }
.Lfunc_end2:
_tile_overlayer_lowered:
.L_overlay_start_2:
0x25c: {  	(tag) =	ssettag $0x2  }
0x25d: {  	s0 =	rddreg [dreg:$0x0];
	s2 =	stileid.u32  }
0x25e: {  	s1 =	rddreg [dreg:$0x1];
	p0 =	sne.s32 s2, $0x0  }
0x25f: {  	s3 =	rddreg [dreg:$0x2];
	[bflag:$0x3] =	sbarrier.arrive $0xFFFF;
	s2 =	simm.s32 @!p0 $0x1C03  }
0x260: {  	[timem:s3], [sflag:s2] =	dma.local @!p0 [hbm:s0], s1  }
0x261: {  	s0 =	simm.s32 @!p0 $0x3  }
0x262: {  	_ =	swait.ge @!p0 [sflag:s0], s1  }
0x263: {  	s1 =	ssub.s32 @!p0 $0x0, s1;
	[sflag:s0] =	ssyncset.done @!p0 $0x0  }
0x264: {  	[sflag:s0] =	ssyncadd.s32 @!p0 s1  }
0x265: {  	[bflag:$0x3] =	sbarrier.arrive $0xFFFF  }
0x266: {  	_ =	shalt  }

</sc_bundles>
